<compile_context>
chip_gen: v7x
topology: tpu7x:2x2x1
jax: 0.10.2.dev20260603
libtpu: 0.0.44.dev20260713+nightly
codegen_flags: <defaults>
</compile_context>

<pallas_src>
import functools

import jax
import jax.numpy as jnp
from jax import lax
from jax.experimental import pallas as pl
from jax.experimental.pallas import tpu as pltpu
from jax.experimental.pallas import tpu_sc as plsc

_NC = 2
_NS = 16
_NW = _NC * _NS
_CH = 128


def _sc_gather3(xt1, xt2, xt3, emb, emb_dur, emb_vel):
    n_rows_128, _ = xt1.shape
    n = n_rows_128 * _CH
    e = emb.shape[1]
    per_w = n // _NW
    n_ch = per_w // _CH

    mesh = plsc.VectorSubcoreMesh(
        core_axis_name="c", subcore_axis_name="s", num_cores=_NC,
        num_subcores=_NS)

    @functools.partial(
        pl.kernel,
        out_type=[jax.ShapeDtypeStruct((n, e), jnp.float32)] * 3,
        mesh=mesh,
        scratch_types=[pltpu.VMEM((n_ch, _CH), jnp.int32)] * 3
        + [pltpu.VMEM((per_w, e), jnp.float32)] * 3
        + [pltpu.SemaphoreType.DMA] * 3,
        compiler_params=pltpu.CompilerParams(use_tc_tiling_on_sc=False),
    )
    def k(x1h, x2h, x3h, t1h, t2h, t3h, o1h, o2h, o3h,
          i1, i2, i3, r1, r2, r3, s1, s2, s3):
        wid = lax.axis_index("s") * _NC + lax.axis_index("c")
        base = wid * per_w
        pltpu.sync_copy(x1h.at[pl.ds(wid * n_ch, n_ch)], i1)
        pltpu.sync_copy(x2h.at[pl.ds(wid * n_ch, n_ch)], i2)
        pltpu.sync_copy(x3h.at[pl.ds(wid * n_ch, n_ch)], i3)
        copies = []
        for c in range(n_ch):
            dst = pl.ds(c * _CH, _CH)
            copies.append(pltpu.async_copy(t1h.at[i1.at[c]], r1.at[dst], s1))
            copies.append(pltpu.async_copy(t2h.at[i2.at[c]], r2.at[dst], s2))
            copies.append(pltpu.async_copy(t3h.at[i3.at[c]], r3.at[dst], s3))
        for cp in copies:
            cp.wait()
        pltpu.sync_copy(r1, o1h.at[pl.ds(base, per_w)])
        pltpu.sync_copy(r2, o2h.at[pl.ds(base, per_w)])
        pltpu.sync_copy(r3, o3h.at[pl.ds(base, per_w)])

    return k(xt1, xt2, xt3, emb, emb_dur, emb_vel)


def _sigmoid(x):
    return 0.5 * jnp.tanh(0.5 * x) + 0.5


def _scan_body(g1_ref, g2_ref, g3_ref, w_ref, ht_ref, hn_ref, cn_ref,
               h_sc, c_sc, *, hh, nblk, ck):
    sblk = pl.program_id(0)

    @pl.when(sblk == 0)
    def _():
        h_sc[...] = jnp.zeros_like(h_sc)
        c_sc[...] = jnp.zeros_like(c_sc)

    b = h_sc.shape[0]
    x = (g1_ref[...] + g2_ref[...] + g3_ref[...]).astype(jnp.bfloat16)
    ones = jnp.ones((b, 1), jnp.bfloat16)
    h = h_sc[...]
    c = c_sc[...]
    w = w_ref[...]
    for k in range(ck):
        lhs = jnp.concatenate([h.astype(jnp.bfloat16), x[k], ones], axis=1)
        gates = jnp.dot(lhs, w, preferred_element_type=jnp.float32)
        i = _sigmoid(gates[:, :hh])
        f = _sigmoid(gates[:, hh:2 * hh])
        g = jnp.tanh(gates[:, 2 * hh:3 * hh])
        o = _sigmoid(gates[:, 3 * hh:])
        c = f * c + i * g
        h = o * jnp.tanh(c)
        ht_ref[k] = h.astype(jnp.bfloat16)
    c_sc[...] = c
    h_sc[...] = h

    @pl.when(sblk == nblk - 1)
    def _():
        hn_ref[...] = h[None]
        cn_ref[...] = c[None]


def _lstm_scan(g1, g2, g3, w_all, s, b, e, hh, ck=16):
    h4 = 4 * hh
    nblk = s // ck
    ke = w_all.shape[0]
    g1 = g1.reshape(s, b, e)
    g2 = g2.reshape(s, b, e)
    g3 = g3.reshape(s, b, e)
    return pl.pallas_call(
        functools.partial(_scan_body, hh=hh, nblk=nblk, ck=ck),
        grid=(nblk,),
        in_specs=[pl.BlockSpec((ck, b, e), lambda i: (i, 0, 0))] * 3
        + [pl.BlockSpec((ke, h4), lambda i: (0, 0))],
        out_specs=[pl.BlockSpec((ck, b, hh), lambda i: (i, 0, 0)),
                   pl.BlockSpec((1, b, hh), lambda i: (0, 0, 0)),
                   pl.BlockSpec((1, b, hh), lambda i: (0, 0, 0))],
        out_shape=[jax.ShapeDtypeStruct((s, b, hh), jnp.bfloat16),
                   jax.ShapeDtypeStruct((1, b, hh), jnp.float32),
                   jax.ShapeDtypeStruct((1, b, hh), jnp.float32)],
        scratch_shapes=[pltpu.VMEM((b, hh), jnp.float32),
                        pltpu.VMEM((b, hh), jnp.float32)],
    )(g1, g2, g3, w_all)


def _log_softmax_nomax(z):
    return z - jnp.log(jnp.sum(jnp.exp(z), axis=-1, keepdims=True))


def _dec_body(ht_ref, w_ref, b_ref, o1_ref, o2_ref, o3_ref, *, v, dv, b, sc):
    z = jnp.dot(ht_ref[...], w_ref[...],
                preferred_element_type=jnp.float32) + b_ref[...]

    def put(o_ref, seg):
        o_ref[...] = _log_softmax_nomax(seg).reshape(
            sc, b, seg.shape[1]).swapaxes(0, 1)

    put(o1_ref, z[:, :v])
    put(o2_ref, z[:, v:v + dv])
    put(o3_ref, z[:, v + dv:])


def _decode(ht2, wcat_t, bcat2d, v, dv, vv, s, b, rd=2048):
    n, h = ht2.shape
    w = v + dv + vv
    sc = rd // b
    return pl.pallas_call(
        functools.partial(_dec_body, v=v, dv=dv, b=b, sc=sc),
        grid=(n // rd,),
        in_specs=[pl.BlockSpec((rd, h), lambda i: (i, 0)),
                  pl.BlockSpec((h, w), lambda i: (0, 0)),
                  pl.BlockSpec((1, w), lambda i: (0, 0))],
        out_specs=[pl.BlockSpec((b, sc, v), lambda i: (0, i, 0)),
                   pl.BlockSpec((b, sc, dv), lambda i: (0, i, 0)),
                   pl.BlockSpec((b, sc, vv), lambda i: (0, i, 0))],
        out_shape=[jax.ShapeDtypeStruct((b, s, v), jnp.float32),
                   jax.ShapeDtypeStruct((b, s, dv), jnp.float32),
                   jax.ShapeDtypeStruct((b, s, vv), jnp.float32)],
    )(ht2, wcat_t, bcat2d)


def kernel(x1, x2, x3, emb, emb_dur, emb_vel, W_ih, W_hh, b_ih, b_hh,
           W_dec, b_dec, W_dur, b_dur, W_vel, b_vel):
    b, s = x1.shape
    e = emb.shape[1]
    h = W_hh.shape[1]
    v, dv, vv = W_dec.shape[0], W_dur.shape[0], W_vel.shape[0]
    n = b * s

    xt1 = x1.T.reshape(n // _CH, _CH).astype(jnp.int32)
    xt2 = x2.T.reshape(n // _CH, _CH).astype(jnp.int32)
    xt3 = x3.T.reshape(n // _CH, _CH).astype(jnp.int32)

    g1, g2, g3 = _sc_gather3(xt1, xt2, xt3, emb, emb_dur, emb_vel)

    w_all = jnp.concatenate(
        [W_hh.T, W_ih.T, (b_ih + b_hh).reshape(1, -1)],
        axis=0).astype(jnp.bfloat16)

    ht3, hn, cn = _lstm_scan(g1, g2, g3, w_all, s, b, e, h)

    wcat_t = jnp.concatenate(
        [W_dec, W_dur, W_vel], axis=0).T.astype(jnp.bfloat16)
    bcat2d = jnp.concatenate([b_dec, b_dur, b_vel]).reshape(1, -1)
    out, out_dur, out_vel = _decode(
        ht3.reshape(n, h), wcat_t, bcat2d, v, dv, vv, s, b)
    return (out, out_dur, out_vel, (hn, cn))

# --- scband reference (transcript-rebuilt; emitter-appended) ---
"""Pipeline reference for scband-lstmt-3embeddings-37065567764670 (READ-ONLY COPY).

The authoritative reference and input builder live on the scoring server;
editing this copy changes nothing except your own understanding.
"""

import jax, jax.numpy as jnp
import numpy as np

V, DV, VV = 512, 128, 128
E, H = 64, 512
B, S = 64, 256


def setup_inputs(seed: int = 0) -> dict:
    key = jax.random.key(seed)
    ks = jax.random.split(key, 16)
    scale = 0.05
    inp = {}
    inp["x1"] = jax.random.randint(ks[0], (B, S), 0, V)
    inp["x2"] = jax.random.randint(ks[1], (B, S), 0, DV)
    inp["x3"] = jax.random.randint(ks[2], (B, S), 0, VV)
    inp["emb"] = jax.random.normal(ks[3], (V, E), dtype=jnp.float32) * scale
    inp["emb_dur"] = jax.random.normal(ks[4], (DV, E), dtype=jnp.float32) * scale
    inp["emb_vel"] = jax.random.normal(ks[5], (VV, E), dtype=jnp.float32) * scale
    inp["W_ih"] = jax.random.normal(ks[6], (4 * H, E), dtype=jnp.float32) * scale
    inp["W_hh"] = jax.random.normal(ks[7], (4 * H, H), dtype=jnp.float32) * scale
    inp["b_ih"] = jnp.zeros((4 * H,), dtype=jnp.float32)
    inp["b_hh"] = jnp.zeros((4 * H,), dtype=jnp.float32)
    inp["W_dec"] = jax.random.normal(ks[8], (V, H), dtype=jnp.float32) * scale
    inp["b_dec"] = jnp.zeros((V,), dtype=jnp.float32)
    inp["W_dur"] = jax.random.normal(ks[9], (DV, H), dtype=jnp.float32) * scale
    inp["b_dur"] = jnp.zeros((DV,), dtype=jnp.float32)
    inp["W_vel"] = jax.random.normal(ks[10], (VV, H), dtype=jnp.float32) * scale
    inp["b_vel"] = jnp.zeros((VV,), dtype=jnp.float32)
    return inp


def _lstm(x_emb, W_ih, W_hh, b_ih, b_hh):
    b = x_emb.shape[0]
    h0 = jnp.zeros((b, H), dtype=x_emb.dtype)
    c0 = jnp.zeros((b, H), dtype=x_emb.dtype)

    def step(carry, x_t):
        h, c = carry
        gates = x_t @ W_ih.T + b_ih + h @ W_hh.T + b_hh
        i, f, g, o = jnp.split(gates, 4, axis=-1)
        i = jax.nn.sigmoid(i)
        f = jax.nn.sigmoid(f)
        g = jnp.tanh(g)
        o = jax.nn.sigmoid(o)
        c = f * c + i * g
        h = o * jnp.tanh(c)
        return (h, c), h

    xs = jnp.swapaxes(x_emb, 0, 1)  # [S, B, E]
    (hN, cN), hs = jax.lax.scan(step, (h0, c0), xs)
    ht = jnp.swapaxes(hs, 0, 1)  # [B, S, H]
    return ht, hN, cN


def reference(x1, x2, x3, emb, emb_dur, emb_vel, W_ih, W_hh, b_ih, b_hh,
              W_dec, b_dec, W_dur, b_dur, W_vel, b_vel):
    embeds = jnp.take(emb, x1, axis=0)
    embeds_dur = jnp.take(emb_dur, x2, axis=0)
    embeds_vel = jnp.take(emb_vel, x3, axis=0)
    merged = embeds + embeds_vel + embeds_dur
    # dropout is identity in eval/deterministic mode
    ht, hN, cN = _lstm(merged, W_ih, W_hh, b_ih, b_hh)
    lin = ht @ W_dec.T + b_dec
    lin_vel = ht @ W_vel.T + b_vel
    lin_dur = ht @ W_dur.T + b_dur
    out = jax.nn.log_softmax(lin, axis=-1)
    out_vel = jax.nn.log_softmax(lin_vel, axis=-1)
    out_dur = jax.nn.log_softmax(lin_dur, axis=-1)
    return (out, out_dur, out_vel, (hN[None], cN[None]))

if __name__ == "__main__":
    import jax
    _d = setup_inputs()
    print(jax.jit(kernel)(*tuple(_d.values())))

</pallas_src>

<mosaic_0001>
#map = affine_map<(d0, d1) -> (0, 0)>
module attributes {stable_mosaic.version = 14 : i64} {
  func.func @k(%arg0: i32, %arg1: i32, %arg2: memref<128x128xi32, #tpu.memory_space<hbm>>, %arg3: memref<128x128xi32, #tpu.memory_space<hbm>>, %arg4: memref<128x128xi32, #tpu.memory_space<hbm>>, %arg5: memref<512x64xf32, #tpu.memory_space<hbm>>, %arg6: memref<128x64xf32, #tpu.memory_space<hbm>>, %arg7: memref<128x64xf32, #tpu.memory_space<hbm>>, %arg8: memref<16384x64xf32, #tpu.memory_space<hbm>>, %arg9: memref<16384x64xf32, #tpu.memory_space<hbm>>, %arg10: memref<16384x64xf32, #tpu.memory_space<hbm>>, %arg11: memref<4x128xi32, #tpu.memory_space<vmem>>, %arg12: memref<4x128xi32, #tpu.memory_space<vmem>>, %arg13: memref<4x128xi32, #tpu.memory_space<vmem>>, %arg14: memref<512x64xf32, #tpu.memory_space<vmem>>, %arg15: memref<512x64xf32, #tpu.memory_space<vmem>>, %arg16: memref<512x64xf32, #tpu.memory_space<vmem>>, %arg17: memref<!tpu.dma_semaphore, #tpu.memory_space<semaphore_mem>>, %arg18: memref<!tpu.dma_semaphore, #tpu.memory_space<semaphore_mem>>, %arg19: memref<!tpu.dma_semaphore, #tpu.memory_space<semaphore_mem>>) attributes {dimension_semantics = [#tpu.dimension_semantics<core_parallel>, #tpu.dimension_semantics<subcore_parallel>], iteration_bounds = array<i64: 2, 16>, scalar_prefetch = 0 : i64, scratch_operands = 9 : i64, tpu.core_type = #tpu.core_type<sc_vector_subcore>, window_params = [{transform_indices = #map}, {transform_indices = #map}, {transform_indices = #map}, {transform_indices = #map}, {transform_indices = #map}, {transform_indices = #map}, {transform_indices = #map}, {transform_indices = #map}, {transform_indices = #map}]} {
    %mul3A = arith.constant 2 : i32
    %mul3A_0 = arith.muli %arg1, %mul3A : i32
    %add3A = arith.addi %mul3A_0, %arg0 : i32
    %mul3A_1 = arith.constant 512 : i32
    %mul3A_2 = arith.muli %add3A, %mul3A_1 : i32
    %mul3A_3 = arith.constant 4 : i32
    %mul3A_4 = arith.muli %add3A, %mul3A_3 : i32
    "tpu.region"() ({
      %run_scoped3A = tpu.sem_alloc : memref<!tpu.dma_semaphore, #tpu.memory_space<semaphore_mem>>
      %dma_start3A_247 = arith.constant 0 : i32
      %dma_start3A_248 = tpu.memref_slice %arg2[%mul3A_4, %dma_start3A_247] : memref<128x128xi32, #tpu.memory_space<hbm>> -> memref<4x128xi32, #tpu.memory_space<hbm>>
      %dma_start3A_249 = arith.constant 0 : i32
      %dma_start3A_250 = tpu.memref_slice %arg2[%mul3A_4, %dma_start3A_249] : memref<128x128xi32, #tpu.memory_space<hbm>> -> memref<4x128xi32, #tpu.memory_space<hbm>>
      tpu.enqueue_dma source(%dma_start3A_250 : memref<4x128xi32, #tpu.memory_space<hbm>>) target(%arg11 : memref<4x128xi32, #tpu.memory_space<vmem>>) target_semaphore(%run_scoped3A : memref<!tpu.dma_semaphore, #tpu.memory_space<semaphore_mem>>)
      %dma_wait3A_251 = arith.constant 0 : i32
      %dma_wait3A_252 = tpu.memref_slice %arg2[%mul3A_4, %dma_wait3A_251] : memref<128x128xi32, #tpu.memory_space<hbm>> -> memref<4x128xi32, #tpu.memory_space<hbm>>
      %dma_wait3A_253 = arith.constant 0 : i32
      %dma_wait3A_254 = tpu.memref_slice %arg2[%mul3A_4, %dma_wait3A_253] : memref<128x128xi32, #tpu.memory_space<hbm>> -> memref<4x128xi32, #tpu.memory_space<hbm>>
      tpu.wait_dma2 semaphore(%run_scoped3A : memref<!tpu.dma_semaphore, #tpu.memory_space<semaphore_mem>>) src(%dma_wait3A_254 : memref<4x128xi32, #tpu.memory_space<hbm>>) dst(%arg11 : memref<4x128xi32, #tpu.memory_space<vmem>>)
      tpu.yield
    }) : () -> ()
    %mul3A_5 = arith.constant 4 : i32
    %mul3A_6 = arith.muli %add3A, %mul3A_5 : i32
    "tpu.region"() ({
      %run_scoped3A = tpu.sem_alloc : memref<!tpu.dma_semaphore, #tpu.memory_space<semaphore_mem>>
      %dma_start3A_247 = arith.constant 0 : i32
      %dma_start3A_248 = tpu.memref_slice %arg3[%mul3A_6, %dma_start3A_247] : memref<128x128xi32, #tpu.memory_space<hbm>> -> memref<4x128xi32, #tpu.memory_space<hbm>>
      %dma_start3A_249 = arith.constant 0 : i32
      %dma_start3A_250 = tpu.memref_slice %arg3[%mul3A_6, %dma_start3A_249] : memref<128x128xi32, #tpu.memory_space<hbm>> -> memref<4x128xi32, #tpu.memory_space<hbm>>
      tpu.enqueue_dma source(%dma_start3A_250 : memref<4x128xi32, #tpu.memory_space<hbm>>) target(%arg12 : memref<4x128xi32, #tpu.memory_space<vmem>>) target_semaphore(%run_scoped3A : memref<!tpu.dma_semaphore, #tpu.memory_space<semaphore_mem>>)
      %dma_wait3A_251 = arith.constant 0 : i32
      %dma_wait3A_252 = tpu.memref_slice %arg3[%mul3A_6, %dma_wait3A_251] : memref<128x128xi32, #tpu.memory_space<hbm>> -> memref<4x128xi32, #tpu.memory_space<hbm>>
      %dma_wait3A_253 = arith.constant 0 : i32
      %dma_wait3A_254 = tpu.memref_slice %arg3[%mul3A_6, %dma_wait3A_253] : memref<128x128xi32, #tpu.memory_space<hbm>> -> memref<4x128xi32, #tpu.memory_space<hbm>>
      tpu.wait_dma2 semaphore(%run_scoped3A : memref<!tpu.dma_semaphore, #tpu.memory_space<semaphore_mem>>) src(%dma_wait3A_254 : memref<4x128xi32, #tpu.memory_space<hbm>>) dst(%arg12 : memref<4x128xi32, #tpu.memory_space<vmem>>)
      tpu.yield
    }) : () -> ()
    %mul3A_7 = arith.constant 4 : i32
    %mul3A_8 = arith.muli %add3A, %mul3A_7 : i32
    "tpu.region"() ({
      %run_scoped3A = tpu.sem_alloc : memref<!tpu.dma_semaphore, #tpu.memory_space<semaphore_mem>>
      %dma_start3A_247 = arith.constant 0 : i32
      %dma_start3A_248 = tpu.memref_slice %arg4[%mul3A_8, %dma_start3A_247] : memref<128x128xi32, #tpu.memory_space<hbm>> -> memref<4x128xi32, #tpu.memory_space<hbm>>
      %dma_start3A_249 = arith.constant 0 : i32
      %dma_start3A_250 = tpu.memref_slice %arg4[%mul3A_8, %dma_start3A_249] : memref<128x128xi32, #tpu.memory_space<hbm>> -> memref<4x128xi32, #tpu.memory_space<hbm>>
      tpu.enqueue_dma source(%dma_start3A_250 : memref<4x128xi32, #tpu.memory_space<hbm>>) target(%arg13 : memref<4x128xi32, #tpu.memory_space<vmem>>) target_semaphore(%run_scoped3A : memref<!tpu.dma_semaphore, #tpu.memory_space<semaphore_mem>>)
      %dma_wait3A_251 = arith.constant 0 : i32
      %dma_wait3A_252 = tpu.memref_slice %arg4[%mul3A_8, %dma_wait3A_251] : memref<128x128xi32, #tpu.memory_space<hbm>> -> memref<4x128xi32, #tpu.memory_space<hbm>>
      %dma_wait3A_253 = arith.constant 0 : i32
      %dma_wait3A_254 = tpu.memref_slice %arg4[%mul3A_8, %dma_wait3A_253] : memref<128x128xi32, #tpu.memory_space<hbm>> -> memref<4x128xi32, #tpu.memory_space<hbm>>
      tpu.wait_dma2 semaphore(%run_scoped3A : memref<!tpu.dma_semaphore, #tpu.memory_space<semaphore_mem>>) src(%dma_wait3A_254 : memref<4x128xi32, #tpu.memory_space<hbm>>) dst(%arg13 : memref<4x128xi32, #tpu.memory_space<vmem>>)
      tpu.yield
    }) : () -> ()
    %dma_start3A = arith.constant 0 : i32
    %dma_start3A_9 = arith.constant 0 : i32
    %dma_start3A_10 = arith.constant 0 : i32
    %dma_start3A_11 = tpu.memref_slice %arg14[%dma_start3A_9, %dma_start3A_10] : memref<512x64xf32, #tpu.memory_space<vmem>> -> memref<128x64xf32, #tpu.memory_space<vmem>>
    %dma_start3A_12 = arith.constant 0 : i32
    %dma_start3A_13 = tpu.memref_slice %arg11[%dma_start3A, %dma_start3A_12] : memref<4x128xi32, #tpu.memory_space<vmem>> -> memref<1x128xi32, #tpu.memory_space<vmem>>
    %dma_start3A_14 = tpu.memref_squeeze %dma_start3A_13 : memref<1x128xi32, #tpu.memory_space<vmem>> -> memref<128xi32, #tpu.memory_space<vmem>>
    %dma_start3A_15 = arith.constant 0 : i32
    %dma_start3A_16 = arith.constant 0 : i32
    %dma_start3A_17 = tpu.memref_slice %arg5[%dma_start3A_15, %dma_start3A_16] : memref<512x64xf32, #tpu.memory_space<hbm>> -> memref<512x64xf32, #tpu.memory_space<hbm>>
    tpu.enqueue_indirect_dma source(%dma_start3A_17 : memref<512x64xf32, #tpu.memory_space<hbm>>) target(%dma_start3A_11 : memref<128x64xf32, #tpu.memory_space<vmem>>) offsets(%dma_start3A_14 : memref<128xi32, #tpu.memory_space<vmem>>) semaphore(%arg17 : memref<!tpu.dma_semaphore, #tpu.memory_space<semaphore_mem>>)
    %dma_start3A_18 = arith.constant 0 : i32
    %dma_start3A_19 = arith.constant 0 : i32
    %dma_start3A_20 = arith.constant 0 : i32
    %dma_start3A_21 = tpu.memref_slice %arg15[%dma_start3A_19, %dma_start3A_20] : memref<512x64xf32, #tpu.memory_space<vmem>> -> memref<128x64xf32, #tpu.memory_space<vmem>>
    %dma_start3A_22 = arith.constant 0 : i32
    %dma_start3A_23 = tpu.memref_slice %arg12[%dma_start3A_18, %dma_start3A_22] : memref<4x128xi32, #tpu.memory_space<vmem>> -> memref<1x128xi32, #tpu.memory_space<vmem>>
    %dma_start3A_24 = tpu.memref_squeeze %dma_start3A_23 : memref<1x128xi32, #tpu.memory_space<vmem>> -> memref<128xi32, #tpu.memory_space<vmem>>
    %dma_start3A_25 = arith.constant 0 : i32
    %dma_start3A_26 = arith.constant 0 : i32
    %dma_start3A_27 = tpu.memref_slice %arg6[%dma_start3A_25, %dma_start3A_26] : memref<128x64xf32, #tpu.memory_space<hbm>> -> memref<128x64xf32, #tpu.memory_space<hbm>>
    tpu.enqueue_indirect_dma source(%dma_start3A_27 : memref<128x64xf32, #tpu.memory_space<hbm>>) target(%dma_start3A_21 : memref<128x64xf32, #tpu.memory_space<vmem>>) offsets(%dma_start3A_24 : memref<128xi32, #tpu.memory_space<vmem>>) semaphore(%arg18 : memref<!tpu.dma_semaphore, #tpu.memory_space<semaphore_mem>>)
    %dma_start3A_28 = arith.constant 0 : i32
    %dma_start3A_29 = arith.constant 0 : i32
    %dma_start3A_30 = arith.constant 0 : i32
    %dma_start3A_31 = tpu.memref_slice %arg16[%dma_start3A_29, %dma_start3A_30] : memref<512x64xf32, #tpu.memory_space<vmem>> -> memref<128x64xf32, #tpu.memory_space<vmem>>
    %dma_start3A_32 = arith.constant 0 : i32
    %dma_start3A_33 = tpu.memref_slice %arg13[%dma_start3A_28, %dma_start3A_32] : memref<4x128xi32, #tpu.memory_space<vmem>> -> memref<1x128xi32, #tpu.memory_space<vmem>>
    %dma_start3A_34 = tpu.memref_squeeze %dma_start3A_33 : memref<1x128xi32, #tpu.memory_space<vmem>> -> memref<128xi32, #tpu.memory_space<vmem>>
    %dma_start3A_35 = arith.constant 0 : i32
    %dma_start3A_36 = arith.constant 0 : i32
    %dma_start3A_37 = tpu.memref_slice %arg7[%dma_start3A_35, %dma_start3A_36] : memref<128x64xf32, #tpu.memory_space<hbm>> -> memref<128x64xf32, #tpu.memory_space<hbm>>
    tpu.enqueue_indirect_dma source(%dma_start3A_37 : memref<128x64xf32, #tpu.memory_space<hbm>>) target(%dma_start3A_31 : memref<128x64xf32, #tpu.memory_space<vmem>>) offsets(%dma_start3A_34 : memref<128xi32, #tpu.memory_space<vmem>>) semaphore(%arg19 : memref<!tpu.dma_semaphore, #tpu.memory_space<semaphore_mem>>)
    %dma_start3A_38 = arith.constant 1 : i32
    %dma_start3A_39 = arith.constant 128 : i32
    %dma_start3A_40 = arith.constant 0 : i32
    %dma_start3A_41 = tpu.memref_slice %arg14[%dma_start3A_39, %dma_start3A_40] : memref<512x64xf32, #tpu.memory_space<vmem>> -> memref<128x64xf32, #tpu.memory_space<vmem>>
    %dma_start3A_42 = arith.constant 0 : i32
    %dma_start3A_43 = tpu.memref_slice %arg11[%dma_start3A_38, %dma_start3A_42] : memref<4x128xi32, #tpu.memory_space<vmem>> -> memref<1x128xi32, #tpu.memory_space<vmem>>
    %dma_start3A_44 = tpu.memref_squeeze %dma_start3A_43 : memref<1x128xi32, #tpu.memory_space<vmem>> -> memref<128xi32, #tpu.memory_space<vmem>>
    %dma_start3A_45 = arith.constant 0 : i32
    %dma_start3A_46 = arith.constant 0 : i32
    %dma_start3A_47 = tpu.memref_slice %arg5[%dma_start3A_45, %dma_start3A_46] : memref<512x64xf32, #tpu.memory_space<hbm>> -> memref<512x64xf32, #tpu.memory_space<hbm>>
    tpu.enqueue_indirect_dma source(%dma_start3A_47 : memref<512x64xf32, #tpu.memory_space<hbm>>) target(%dma_start3A_41 : memref<128x64xf32, #tpu.memory_space<vmem>>) offsets(%dma_start3A_44 : memref<128xi32, #tpu.memory_space<vmem>>) semaphore(%arg17 : memref<!tpu.dma_semaphore, #tpu.memory_space<semaphore_mem>>)
    %dma_start3A_48 = arith.constant 1 : i32
    %dma_start3A_49 = arith.constant 128 : i32
    %dma_start3A_50 = arith.constant 0 : i32
    %dma_start3A_51 = tpu.memref_slice %arg15[%dma_start3A_49, %dma_start3A_50] : memref<512x64xf32, #tpu.memory_space<vmem>> -> memref<128x64xf32, #tpu.memory_space<vmem>>
    %dma_start3A_52 = arith.constant 0 : i32
    %dma_start3A_53 = tpu.memref_slice %arg12[%dma_start3A_48, %dma_start3A_52] : memref<4x128xi32, #tpu.memory_space<vmem>> -> memref<1x128xi32, #tpu.memory_space<vmem>>
    %dma_start3A_54 = tpu.memref_squeeze %dma_start3A_53 : memref<1x128xi32, #tpu.memory_space<vmem>> -> memref<128xi32, #tpu.memory_space<vmem>>
    %dma_start3A_55 = arith.constant 0 : i32
    %dma_start3A_56 = arith.constant 0 : i32
    %dma_start3A_57 = tpu.memref_slice %arg6[%dma_start3A_55, %dma_start3A_56] : memref<128x64xf32, #tpu.memory_space<hbm>> -> memref<128x64xf32, #tpu.memory_space<hbm>>
    tpu.enqueue_indirect_dma source(%dma_start3A_57 : memref<128x64xf32, #tpu.memory_space<hbm>>) target(%dma_start3A_51 : memref<128x64xf32, #tpu.memory_space<vmem>>) offsets(%dma_start3A_54 : memref<128xi32, #tpu.memory_space<vmem>>) semaphore(%arg18 : memref<!tpu.dma_semaphore, #tpu.memory_space<semaphore_mem>>)
    %dma_start3A_58 = arith.constant 1 : i32
    %dma_start3A_59 = arith.constant 128 : i32
    %dma_start3A_60 = arith.constant 0 : i32
    %dma_start3A_61 = tpu.memref_slice %arg16[%dma_start3A_59, %dma_start3A_60] : memref<512x64xf32, #tpu.memory_space<vmem>> -> memref<128x64xf32, #tpu.memory_space<vmem>>
    %dma_start3A_62 = arith.constant 0 : i32
    %dma_start3A_63 = tpu.memref_slice %arg13[%dma_start3A_58, %dma_start3A_62] : memref<4x128xi32, #tpu.memory_space<vmem>> -> memref<1x128xi32, #tpu.memory_space<vmem>>
    %dma_start3A_64 = tpu.memref_squeeze %dma_start3A_63 : memref<1x128xi32, #tpu.memory_space<vmem>> -> memref<128xi32, #tpu.memory_space<vmem>>
    %dma_start3A_65 = arith.constant 0 : i32
    %dma_start3A_66 = arith.constant 0 : i32
    %dma_start3A_67 = tpu.memref_slice %arg7[%dma_start3A_65, %dma_start3A_66] : memref<128x64xf32, #tpu.memory_space<hbm>> -> memref<128x64xf32, #tpu.memory_space<hbm>>
    tpu.enqueue_indirect_dma source(%dma_start3A_67 : memref<128x64xf32, #tpu.memory_space<hbm>>) target(%dma_start3A_61 : memref<128x64xf32, #tpu.memory_space<vmem>>) offsets(%dma_start3A_64 : memref<128xi32, #tpu.memory_space<vmem>>) semaphore(%arg19 : memref<!tpu.dma_semaphore, #tpu.memory_space<semaphore_mem>>)
    %dma_start3A_68 = arith.constant 2 : i32
    %dma_start3A_69 = arith.constant 256 : i32
    %dma_start3A_70 = arith.constant 0 : i32
    %dma_start3A_71 = tpu.memref_slice %arg14[%dma_start3A_69, %dma_start3A_70] : memref<512x64xf32, #tpu.memory_space<vmem>> -> memref<128x64xf32, #tpu.memory_space<vmem>>
    %dma_start3A_72 = arith.constant 0 : i32
    %dma_start3A_73 = tpu.memref_slice %arg11[%dma_start3A_68, %dma_start3A_72] : memref<4x128xi32, #tpu.memory_space<vmem>> -> memref<1x128xi32, #tpu.memory_space<vmem>>
    %dma_start3A_74 = tpu.memref_squeeze %dma_start3A_73 : memref<1x128xi32, #tpu.memory_space<vmem>> -> memref<128xi32, #tpu.memory_space<vmem>>
    %dma_start3A_75 = arith.constant 0 : i32
    %dma_start3A_76 = arith.constant 0 : i32
    %dma_start3A_77 = tpu.memref_slice %arg5[%dma_start3A_75, %dma_start3A_76] : memref<512x64xf32, #tpu.memory_space<hbm>> -> memref<512x64xf32, #tpu.memory_space<hbm>>
    tpu.enqueue_indirect_dma source(%dma_start3A_77 : memref<512x64xf32, #tpu.memory_space<hbm>>) target(%dma_start3A_71 : memref<128x64xf32, #tpu.memory_space<vmem>>) offsets(%dma_start3A_74 : memref<128xi32, #tpu.memory_space<vmem>>) semaphore(%arg17 : memref<!tpu.dma_semaphore, #tpu.memory_space<semaphore_mem>>)
    %dma_start3A_78 = arith.constant 2 : i32
    %dma_start3A_79 = arith.constant 256 : i32
    %dma_start3A_80 = arith.constant 0 : i32
    %dma_start3A_81 = tpu.memref_slice %arg15[%dma_start3A_79, %dma_start3A_80] : memref<512x64xf32, #tpu.memory_space<vmem>> -> memref<128x64xf32, #tpu.memory_space<vmem>>
    %dma_start3A_82 = arith.constant 0 : i32
    %dma_start3A_83 = tpu.memref_slice %arg12[%dma_start3A_78, %dma_start3A_82] : memref<4x128xi32, #tpu.memory_space<vmem>> -> memref<1x128xi32, #tpu.memory_space<vmem>>
    %dma_start3A_84 = tpu.memref_squeeze %dma_start3A_83 : memref<1x128xi32, #tpu.memory_space<vmem>> -> memref<128xi32, #tpu.memory_space<vmem>>
    %dma_start3A_85 = arith.constant 0 : i32
    %dma_start3A_86 = arith.constant 0 : i32
    %dma_start3A_87 = tpu.memref_slice %arg6[%dma_start3A_85, %dma_start3A_86] : memref<128x64xf32, #tpu.memory_space<hbm>> -> memref<128x64xf32, #tpu.memory_space<hbm>>
    tpu.enqueue_indirect_dma source(%dma_start3A_87 : memref<128x64xf32, #tpu.memory_space<hbm>>) target(%dma_start3A_81 : memref<128x64xf32, #tpu.memory_space<vmem>>) offsets(%dma_start3A_84 : memref<128xi32, #tpu.memory_space<vmem>>) semaphore(%arg18 : memref<!tpu.dma_semaphore, #tpu.memory_space<semaphore_mem>>)
    %dma_start3A_88 = arith.constant 2 : i32
    %dma_start3A_89 = arith.constant 256 : i32
    %dma_start3A_90 = arith.constant 0 : i32
    %dma_start3A_91 = tpu.memref_slice %arg16[%dma_start3A_89, %dma_start3A_90] : memref<512x64xf32, #tpu.memory_space<vmem>> -> memref<128x64xf32, #tpu.memory_space<vmem>>
    %dma_start3A_92 = arith.constant 0 : i32
    %dma_start3A_93 = tpu.memref_slice %arg13[%dma_start3A_88, %dma_start3A_92] : memref<4x128xi32, #tpu.memory_space<vmem>> -> memref<1x128xi32, #tpu.memory_space<vmem>>
    %dma_start3A_94 = tpu.memref_squeeze %dma_start3A_93 : memref<1x128xi32, #tpu.memory_space<vmem>> -> memref<128xi32, #tpu.memory_space<vmem>>
    %dma_start3A_95 = arith.constant 0 : i32
    %dma_start3A_96 = arith.constant 0 : i32
    %dma_start3A_97 = tpu.memref_slice %arg7[%dma_start3A_95, %dma_start3A_96] : memref<128x64xf32, #tpu.memory_space<hbm>> -> memref<128x64xf32, #tpu.memory_space<hbm>>
    tpu.enqueue_indirect_dma source(%dma_start3A_97 : memref<128x64xf32, #tpu.memory_space<hbm>>) target(%dma_start3A_91 : memref<128x64xf32, #tpu.memory_space<vmem>>) offsets(%dma_start3A_94 : memref<128xi32, #tpu.memory_space<vmem>>) semaphore(%arg19 : memref<!tpu.dma_semaphore, #tpu.memory_space<semaphore_mem>>)
    %dma_start3A_98 = arith.constant 3 : i32
    %dma_start3A_99 = arith.constant 384 : i32
    %dma_start3A_100 = arith.constant 0 : i32
    %dma_start3A_101 = tpu.memref_slice %arg14[%dma_start3A_99, %dma_start3A_100] : memref<512x64xf32, #tpu.memory_space<vmem>> -> memref<128x64xf32, #tpu.memory_space<vmem>>
    %dma_start3A_102 = arith.constant 0 : i32
    %dma_start3A_103 = tpu.memref_slice %arg11[%dma_start3A_98, %dma_start3A_102] : memref<4x128xi32, #tpu.memory_space<vmem>> -> memref<1x128xi32, #tpu.memory_space<vmem>>
    %dma_start3A_104 = tpu.memref_squeeze %dma_start3A_103 : memref<1x128xi32, #tpu.memory_space<vmem>> -> memref<128xi32, #tpu.memory_space<vmem>>
    %dma_start3A_105 = arith.constant 0 : i32
    %dma_start3A_106 = arith.constant 0 : i32
    %dma_start3A_107 = tpu.memref_slice %arg5[%dma_start3A_105, %dma_start3A_106] : memref<512x64xf32, #tpu.memory_space<hbm>> -> memref<512x64xf32, #tpu.memory_space<hbm>>
    tpu.enqueue_indirect_dma source(%dma_start3A_107 : memref<512x64xf32, #tpu.memory_space<hbm>>) target(%dma_start3A_101 : memref<128x64xf32, #tpu.memory_space<vmem>>) offsets(%dma_start3A_104 : memref<128xi32, #tpu.memory_space<vmem>>) semaphore(%arg17 : memref<!tpu.dma_semaphore, #tpu.memory_space<semaphore_mem>>)
    %dma_start3A_108 = arith.constant 3 : i32
    %dma_start3A_109 = arith.constant 384 : i32
    %dma_start3A_110 = arith.constant 0 : i32
    %dma_start3A_111 = tpu.memref_slice %arg15[%dma_start3A_109, %dma_start3A_110] : memref<512x64xf32, #tpu.memory_space<vmem>> -> memref<128x64xf32, #tpu.memory_space<vmem>>
    %dma_start3A_112 = arith.constant 0 : i32
    %dma_start3A_113 = tpu.memref_slice %arg12[%dma_start3A_108, %dma_start3A_112] : memref<4x128xi32, #tpu.memory_space<vmem>> -> memref<1x128xi32, #tpu.memory_space<vmem>>
    %dma_start3A_114 = tpu.memref_squeeze %dma_start3A_113 : memref<1x128xi32, #tpu.memory_space<vmem>> -> memref<128xi32, #tpu.memory_space<vmem>>
    %dma_start3A_115 = arith.constant 0 : i32
    %dma_start3A_116 = arith.constant 0 : i32
    %dma_start3A_117 = tpu.memref_slice %arg6[%dma_start3A_115, %dma_start3A_116] : memref<128x64xf32, #tpu.memory_space<hbm>> -> memref<128x64xf32, #tpu.memory_space<hbm>>
    tpu.enqueue_indirect_dma source(%dma_start3A_117 : memref<128x64xf32, #tpu.memory_space<hbm>>) target(%dma_start3A_111 : memref<128x64xf32, #tpu.memory_space<vmem>>) offsets(%dma_start3A_114 : memref<128xi32, #tpu.memory_space<vmem>>) semaphore(%arg18 : memref<!tpu.dma_semaphore, #tpu.memory_space<semaphore_mem>>)
    %dma_start3A_118 = arith.constant 3 : i32
    %dma_start3A_119 = arith.constant 384 : i32
    %dma_start3A_120 = arith.constant 0 : i32
    %dma_start3A_121 = tpu.memref_slice %arg16[%dma_start3A_119, %dma_start3A_120] : memref<512x64xf32, #tpu.memory_space<vmem>> -> memref<128x64xf32, #tpu.memory_space<vmem>>
    %dma_start3A_122 = arith.constant 0 : i32
    %dma_start3A_123 = tpu.memref_slice %arg13[%dma_start3A_118, %dma_start3A_122] : memref<4x128xi32, #tpu.memory_space<vmem>> -> memref<1x128xi32, #tpu.memory_space<vmem>>
    %dma_start3A_124 = tpu.memref_squeeze %dma_start3A_123 : memref<1x128xi32, #tpu.memory_space<vmem>> -> memref<128xi32, #tpu.memory_space<vmem>>
    %dma_start3A_125 = arith.constant 0 : i32
    %dma_start3A_126 = arith.constant 0 : i32
    %dma_start3A_127 = tpu.memref_slice %arg7[%dma_start3A_125, %dma_start3A_126] : memref<128x64xf32, #tpu.memory_space<hbm>> -> memref<128x64xf32, #tpu.memory_space<hbm>>
    tpu.enqueue_indirect_dma source(%dma_start3A_127 : memref<128x64xf32, #tpu.memory_space<hbm>>) target(%dma_start3A_121 : memref<128x64xf32, #tpu.memory_space<vmem>>) offsets(%dma_start3A_124 : memref<128xi32, #tpu.memory_space<vmem>>) semaphore(%arg19 : memref<!tpu.dma_semaphore, #tpu.memory_space<semaphore_mem>>)
    %dma_wait3A = arith.constant 0 : i32
    %dma_wait3A_128 = arith.constant 0 : i32
    %dma_wait3A_129 = arith.constant 0 : i32
    %dma_wait3A_130 = tpu.memref_slice %arg14[%dma_wait3A_128, %dma_wait3A_129] : memref<512x64xf32, #tpu.memory_space<vmem>> -> memref<128x64xf32, #tpu.memory_space<vmem>>
    %dma_wait3A_131 = arith.constant 0 : i32
    %dma_wait3A_132 = tpu.memref_slice %arg11[%dma_wait3A, %dma_wait3A_131] : memref<4x128xi32, #tpu.memory_space<vmem>> -> memref<1x128xi32, #tpu.memory_space<vmem>>
    %dma_wait3A_133 = tpu.memref_squeeze %dma_wait3A_132 : memref<1x128xi32, #tpu.memory_space<vmem>> -> memref<128xi32, #tpu.memory_space<vmem>>
    %dma_wait3A_134 = arith.constant 0 : i32
    %dma_wait3A_135 = arith.constant 0 : i32
    %dma_wait3A_136 = tpu.memref_slice %arg5[%dma_wait3A_134, %dma_wait3A_135] : memref<512x64xf32, #tpu.memory_space<hbm>> -> memref<512x64xf32, #tpu.memory_space<hbm>>
    tpu.wait_indirect_dma semaphore(%arg17 : memref<!tpu.dma_semaphore, #tpu.memory_space<semaphore_mem>>) src(%dma_wait3A_136 : memref<512x64xf32, #tpu.memory_space<hbm>>) dst(%dma_wait3A_130 : memref<128x64xf32, #tpu.memory_space<vmem>>)
    %dma_wait3A_137 = arith.constant 0 : i32
    %dma_wait3A_138 = arith.constant 0 : i32
    %dma_wait3A_139 = arith.constant 0 : i32
    %dma_wait3A_140 = tpu.memref_slice %arg15[%dma_wait3A_138, %dma_wait3A_139] : memref<512x64xf32, #tpu.memory_space<vmem>> -> memref<128x64xf32, #tpu.memory_space<vmem>>
    %dma_wait3A_141 = arith.constant 0 : i32
    %dma_wait3A_142 = tpu.memref_slice %arg12[%dma_wait3A_137, %dma_wait3A_141] : memref<4x128xi32, #tpu.memory_space<vmem>> -> memref<1x128xi32, #tpu.memory_space<vmem>>
    %dma_wait3A_143 = tpu.memref_squeeze %dma_wait3A_142 : memref<1x128xi32, #tpu.memory_space<vmem>> -> memref<128xi32, #tpu.memory_space<vmem>>
    %dma_wait3A_144 = arith.constant 0 : i32
    %dma_wait3A_145 = arith.constant 0 : i32
    %dma_wait3A_146 = tpu.memref_slice %arg6[%dma_wait3A_144, %dma_wait3A_145] : memref<128x64xf32, #tpu.memory_space<hbm>> -> memref<128x64xf32, #tpu.memory_space<hbm>>
    tpu.wait_indirect_dma semaphore(%arg18 : memref<!tpu.dma_semaphore, #tpu.memory_space<semaphore_mem>>) src(%dma_wait3A_146 : memref<128x64xf32, #tpu.memory_space<hbm>>) dst(%dma_wait3A_140 : memref<128x64xf32, #tpu.memory_space<vmem>>)
    %dma_wait3A_147 = arith.constant 0 : i32
    %dma_wait3A_148 = arith.constant 0 : i32
    %dma_wait3A_149 = arith.constant 0 : i32
    %dma_wait3A_150 = tpu.memref_slice %arg16[%dma_wait3A_148, %dma_wait3A_149] : memref<512x64xf32, #tpu.memory_space<vmem>> -> memref<128x64xf32, #tpu.memory_space<vmem>>
    %dma_wait3A_151 = arith.constant 0 : i32
    %dma_wait3A_152 = tpu.memref_slice %arg13[%dma_wait3A_147, %dma_wait3A_151] : memref<4x128xi32, #tpu.memory_space<vmem>> -> memref<1x128xi32, #tpu.memory_space<vmem>>
    %dma_wait3A_153 = tpu.memref_squeeze %dma_wait3A_152 : memref<1x128xi32, #tpu.memory_space<vmem>> -> memref<128xi32, #tpu.memory_space<vmem>>
    %dma_wait3A_154 = arith.constant 0 : i32
    %dma_wait3A_155 = arith.constant 0 : i32
    %dma_wait3A_156 = tpu.memref_slice %arg7[%dma_wait3A_154, %dma_wait3A_155] : memref<128x64xf32, #tpu.memory_space<hbm>> -> memref<128x64xf32, #tpu.memory_space<hbm>>
    tpu.wait_indirect_dma semaphore(%arg19 : memref<!tpu.dma_semaphore, #tpu.memory_space<semaphore_mem>>) src(%dma_wait3A_156 : memref<128x64xf32, #tpu.memory_space<hbm>>) dst(%dma_wait3A_150 : memref<128x64xf32, #tpu.memory_space<vmem>>)
    %dma_wait3A_157 = arith.constant 1 : i32
    %dma_wait3A_158 = arith.constant 128 : i32
    %dma_wait3A_159 = arith.constant 0 : i32
    %dma_wait3A_160 = tpu.memref_slice %arg14[%dma_wait3A_158, %dma_wait3A_159] : memref<512x64xf32, #tpu.memory_space<vmem>> -> memref<128x64xf32, #tpu.memory_space<vmem>>
    %dma_wait3A_161 = arith.constant 0 : i32
    %dma_wait3A_162 = tpu.memref_slice %arg11[%dma_wait3A_157, %dma_wait3A_161] : memref<4x128xi32, #tpu.memory_space<vmem>> -> memref<1x128xi32, #tpu.memory_space<vmem>>
    %dma_wait3A_163 = tpu.memref_squeeze %dma_wait3A_162 : memref<1x128xi32, #tpu.memory_space<vmem>> -> memref<128xi32, #tpu.memory_space<vmem>>
    %dma_wait3A_164 = arith.constant 0 : i32
    %dma_wait3A_165 = arith.constant 0 : i32
    %dma_wait3A_166 = tpu.memref_slice %arg5[%dma_wait3A_164, %dma_wait3A_165] : memref<512x64xf32, #tpu.memory_space<hbm>> -> memref<512x64xf32, #tpu.memory_space<hbm>>
    tpu.wait_indirect_dma semaphore(%arg17 : memref<!tpu.dma_semaphore, #tpu.memory_space<semaphore_mem>>) src(%dma_wait3A_166 : memref<512x64xf32, #tpu.memory_space<hbm>>) dst(%dma_wait3A_160 : memref<128x64xf32, #tpu.memory_space<vmem>>)
    %dma_wait3A_167 = arith.constant 1 : i32
    %dma_wait3A_168 = arith.constant 128 : i32
    %dma_wait3A_169 = arith.constant 0 : i32
    %dma_wait3A_170 = tpu.memref_slice %arg15[%dma_wait3A_168, %dma_wait3A_169] : memref<512x64xf32, #tpu.memory_space<vmem>> -> memref<128x64xf32, #tpu.memory_space<vmem>>
    %dma_wait3A_171 = arith.constant 0 : i32
    %dma_wait3A_172 = tpu.memref_slice %arg12[%dma_wait3A_167, %dma_wait3A_171] : memref<4x128xi32, #tpu.memory_space<vmem>> -> memref<1x128xi32, #tpu.memory_space<vmem>>
    %dma_wait3A_173 = tpu.memref_squeeze %dma_wait3A_172 : memref<1x128xi32, #tpu.memory_space<vmem>> -> memref<128xi32, #tpu.memory_space<vmem>>
    %dma_wait3A_174 = arith.constant 0 : i32
    %dma_wait3A_175 = arith.constant 0 : i32
    %dma_wait3A_176 = tpu.memref_slice %arg6[%dma_wait3A_174, %dma_wait3A_175] : memref<128x64xf32, #tpu.memory_space<hbm>> -> memref<128x64xf32, #tpu.memory_space<hbm>>
    tpu.wait_indirect_dma semaphore(%arg18 : memref<!tpu.dma_semaphore, #tpu.memory_space<semaphore_mem>>) src(%dma_wait3A_176 : memref<128x64xf32, #tpu.memory_space<hbm>>) dst(%dma_wait3A_170 : memref<128x64xf32, #tpu.memory_space<vmem>>)
    %dma_wait3A_177 = arith.constant 1 : i32
    %dma_wait3A_178 = arith.constant 128 : i32
    %dma_wait3A_179 = arith.constant 0 : i32
    %dma_wait3A_180 = tpu.memref_slice %arg16[%dma_wait3A_178, %dma_wait3A_179] : memref<512x64xf32, #tpu.memory_space<vmem>> -> memref<128x64xf32, #tpu.memory_space<vmem>>
    %dma_wait3A_181 = arith.constant 0 : i32
    %dma_wait3A_182 = tpu.memref_slice %arg13[%dma_wait3A_177, %dma_wait3A_181] : memref<4x128xi32, #tpu.memory_space<vmem>> -> memref<1x128xi32, #tpu.memory_space<vmem>>
    %dma_wait3A_183 = tpu.memref_squeeze %dma_wait3A_182 : memref<1x128xi32, #tpu.memory_space<vmem>> -> memref<128xi32, #tpu.memory_space<vmem>>
    %dma_wait3A_184 = arith.constant 0 : i32
    %dma_wait3A_185 = arith.constant 0 : i32
    %dma_wait3A_186 = tpu.memref_slice %arg7[%dma_wait3A_184, %dma_wait3A_185] : memref<128x64xf32, #tpu.memory_space<hbm>> -> memref<128x64xf32, #tpu.memory_space<hbm>>
    tpu.wait_indirect_dma semaphore(%arg19 : memref<!tpu.dma_semaphore, #tpu.memory_space<semaphore_mem>>) src(%dma_wait3A_186 : memref<128x64xf32, #tpu.memory_space<hbm>>) dst(%dma_wait3A_180 : memref<128x64xf32, #tpu.memory_space<vmem>>)
    %dma_wait3A_187 = arith.constant 2 : i32
    %dma_wait3A_188 = arith.constant 256 : i32
    %dma_wait3A_189 = arith.constant 0 : i32
    %dma_wait3A_190 = tpu.memref_slice %arg14[%dma_wait3A_188, %dma_wait3A_189] : memref<512x64xf32, #tpu.memory_space<vmem>> -> memref<128x64xf32, #tpu.memory_space<vmem>>
    %dma_wait3A_191 = arith.constant 0 : i32
    %dma_wait3A_192 = tpu.memref_slice %arg11[%dma_wait3A_187, %dma_wait3A_191] : memref<4x128xi32, #tpu.memory_space<vmem>> -> memref<1x128xi32, #tpu.memory_space<vmem>>
    %dma_wait3A_193 = tpu.memref_squeeze %dma_wait3A_192 : memref<1x128xi32, #tpu.memory_space<vmem>> -> memref<128xi32, #tpu.memory_space<vmem>>
    %dma_wait3A_194 = arith.constant 0 : i32
    %dma_wait3A_195 = arith.constant 0 : i32
    %dma_wait3A_196 = tpu.memref_slice %arg5[%dma_wait3A_194, %dma_wait3A_195] : memref<512x64xf32, #tpu.memory_space<hbm>> -> memref<512x64xf32, #tpu.memory_space<hbm>>
    tpu.wait_indirect_dma semaphore(%arg17 : memref<!tpu.dma_semaphore, #tpu.memory_space<semaphore_mem>>) src(%dma_wait3A_196 : memref<512x64xf32, #tpu.memory_space<hbm>>) dst(%dma_wait3A_190 : memref<128x64xf32, #tpu.memory_space<vmem>>)
    %dma_wait3A_197 = arith.constant 2 : i32
    %dma_wait3A_198 = arith.constant 256 : i32
    %dma_wait3A_199 = arith.constant 0 : i32
    %dma_wait3A_200 = tpu.memref_slice %arg15[%dma_wait3A_198, %dma_wait3A_199] : memref<512x64xf32, #tpu.memory_space<vmem>> -> memref<128x64xf32, #tpu.memory_space<vmem>>
    %dma_wait3A_201 = arith.constant 0 : i32
    %dma_wait3A_202 = tpu.memref_slice %arg12[%dma_wait3A_197, %dma_wait3A_201] : memref<4x128xi32, #tpu.memory_space<vmem>> -> memref<1x128xi32, #tpu.memory_space<vmem>>
    %dma_wait3A_203 = tpu.memref_squeeze %dma_wait3A_202 : memref<1x128xi32, #tpu.memory_space<vmem>> -> memref<128xi32, #tpu.memory_space<vmem>>
    %dma_wait3A_204 = arith.constant 0 : i32
    %dma_wait3A_205 = arith.constant 0 : i32
    %dma_wait3A_206 = tpu.memref_slice %arg6[%dma_wait3A_204, %dma_wait3A_205] : memref<128x64xf32, #tpu.memory_space<hbm>> -> memref<128x64xf32, #tpu.memory_space<hbm>>
    tpu.wait_indirect_dma semaphore(%arg18 : memref<!tpu.dma_semaphore, #tpu.memory_space<semaphore_mem>>) src(%dma_wait3A_206 : memref<128x64xf32, #tpu.memory_space<hbm>>) dst(%dma_wait3A_200 : memref<128x64xf32, #tpu.memory_space<vmem>>)
    %dma_wait3A_207 = arith.constant 2 : i32
    %dma_wait3A_208 = arith.constant 256 : i32
    %dma_wait3A_209 = arith.constant 0 : i32
    %dma_wait3A_210 = tpu.memref_slice %arg16[%dma_wait3A_208, %dma_wait3A_209] : memref<512x64xf32, #tpu.memory_space<vmem>> -> memref<128x64xf32, #tpu.memory_space<vmem>>
    %dma_wait3A_211 = arith.constant 0 : i32
    %dma_wait3A_212 = tpu.memref_slice %arg13[%dma_wait3A_207, %dma_wait3A_211] : memref<4x128xi32, #tpu.memory_space<vmem>> -> memref<1x128xi32, #tpu.memory_space<vmem>>
    %dma_wait3A_213 = tpu.memref_squeeze %dma_wait3A_212 : memref<1x128xi32, #tpu.memory_space<vmem>> -> memref<128xi32, #tpu.memory_space<vmem>>
    %dma_wait3A_214 = arith.constant 0 : i32
    %dma_wait3A_215 = arith.constant 0 : i32
    %dma_wait3A_216 = tpu.memref_slice %arg7[%dma_wait3A_214, %dma_wait3A_215] : memref<128x64xf32, #tpu.memory_space<hbm>> -> memref<128x64xf32, #tpu.memory_space<hbm>>
    tpu.wait_indirect_dma semaphore(%arg19 : memref<!tpu.dma_semaphore, #tpu.memory_space<semaphore_mem>>) src(%dma_wait3A_216 : memref<128x64xf32, #tpu.memory_space<hbm>>) dst(%dma_wait3A_210 : memref<128x64xf32, #tpu.memory_space<vmem>>)
    %dma_wait3A_217 = arith.constant 3 : i32
    %dma_wait3A_218 = arith.constant 384 : i32
    %dma_wait3A_219 = arith.constant 0 : i32
    %dma_wait3A_220 = tpu.memref_slice %arg14[%dma_wait3A_218, %dma_wait3A_219] : memref<512x64xf32, #tpu.memory_space<vmem>> -> memref<128x64xf32, #tpu.memory_space<vmem>>
    %dma_wait3A_221 = arith.constant 0 : i32
    %dma_wait3A_222 = tpu.memref_slice %arg11[%dma_wait3A_217, %dma_wait3A_221] : memref<4x128xi32, #tpu.memory_space<vmem>> -> memref<1x128xi32, #tpu.memory_space<vmem>>
    %dma_wait3A_223 = tpu.memref_squeeze %dma_wait3A_222 : memref<1x128xi32, #tpu.memory_space<vmem>> -> memref<128xi32, #tpu.memory_space<vmem>>
    %dma_wait3A_224 = arith.constant 0 : i32
    %dma_wait3A_225 = arith.constant 0 : i32
    %dma_wait3A_226 = tpu.memref_slice %arg5[%dma_wait3A_224, %dma_wait3A_225] : memref<512x64xf32, #tpu.memory_space<hbm>> -> memref<512x64xf32, #tpu.memory_space<hbm>>
    tpu.wait_indirect_dma semaphore(%arg17 : memref<!tpu.dma_semaphore, #tpu.memory_space<semaphore_mem>>) src(%dma_wait3A_226 : memref<512x64xf32, #tpu.memory_space<hbm>>) dst(%dma_wait3A_220 : memref<128x64xf32, #tpu.memory_space<vmem>>)
    %dma_wait3A_227 = arith.constant 3 : i32
    %dma_wait3A_228 = arith.constant 384 : i32
    %dma_wait3A_229 = arith.constant 0 : i32
    %dma_wait3A_230 = tpu.memref_slice %arg15[%dma_wait3A_228, %dma_wait3A_229] : memref<512x64xf32, #tpu.memory_space<vmem>> -> memref<128x64xf32, #tpu.memory_space<vmem>>
    %dma_wait3A_231 = arith.constant 0 : i32
    %dma_wait3A_232 = tpu.memref_slice %arg12[%dma_wait3A_227, %dma_wait3A_231] : memref<4x128xi32, #tpu.memory_space<vmem>> -> memref<1x128xi32, #tpu.memory_space<vmem>>
    %dma_wait3A_233 = tpu.memref_squeeze %dma_wait3A_232 : memref<1x128xi32, #tpu.memory_space<vmem>> -> memref<128xi32, #tpu.memory_space<vmem>>
    %dma_wait3A_234 = arith.constant 0 : i32
    %dma_wait3A_235 = arith.constant 0 : i32
    %dma_wait3A_236 = tpu.memref_slice %arg6[%dma_wait3A_234, %dma_wait3A_235] : memref<128x64xf32, #tpu.memory_space<hbm>> -> memref<128x64xf32, #tpu.memory_space<hbm>>
    tpu.wait_indirect_dma semaphore(%arg18 : memref<!tpu.dma_semaphore, #tpu.memory_space<semaphore_mem>>) src(%dma_wait3A_236 : memref<128x64xf32, #tpu.memory_space<hbm>>) dst(%dma_wait3A_230 : memref<128x64xf32, #tpu.memory_space<vmem>>)
    %dma_wait3A_237 = arith.constant 3 : i32
    %dma_wait3A_238 = arith.constant 384 : i32
    %dma_wait3A_239 = arith.constant 0 : i32
    %dma_wait3A_240 = tpu.memref_slice %arg16[%dma_wait3A_238, %dma_wait3A_239] : memref<512x64xf32, #tpu.memory_space<vmem>> -> memref<128x64xf32, #tpu.memory_space<vmem>>
    %dma_wait3A_241 = arith.constant 0 : i32
    %dma_wait3A_242 = tpu.memref_slice %arg13[%dma_wait3A_237, %dma_wait3A_241] : memref<4x128xi32, #tpu.memory_space<vmem>> -> memref<1x128xi32, #tpu.memory_space<vmem>>
    %dma_wait3A_243 = tpu.memref_squeeze %dma_wait3A_242 : memref<1x128xi32, #tpu.memory_space<vmem>> -> memref<128xi32, #tpu.memory_space<vmem>>
    %dma_wait3A_244 = arith.constant 0 : i32
    %dma_wait3A_245 = arith.constant 0 : i32
    %dma_wait3A_246 = tpu.memref_slice %arg7[%dma_wait3A_244, %dma_wait3A_245] : memref<128x64xf32, #tpu.memory_space<hbm>> -> memref<128x64xf32, #tpu.memory_space<hbm>>
    tpu.wait_indirect_dma semaphore(%arg19 : memref<!tpu.dma_semaphore, #tpu.memory_space<semaphore_mem>>) src(%dma_wait3A_246 : memref<128x64xf32, #tpu.memory_space<hbm>>) dst(%dma_wait3A_240 : memref<128x64xf32, #tpu.memory_space<vmem>>)
    "tpu.region"() ({
      %run_scoped3A = tpu.sem_alloc : memref<!tpu.dma_semaphore, #tpu.memory_space<semaphore_mem>>
      %dma_start3A_247 = arith.constant 0 : i32
      %dma_start3A_248 = tpu.memref_slice %arg8[%mul3A_2, %dma_start3A_247] : memref<16384x64xf32, #tpu.memory_space<hbm>> -> memref<512x64xf32, #tpu.memory_space<hbm>>
      %dma_start3A_249 = arith.constant 0 : i32
      %dma_start3A_250 = tpu.memref_slice %arg8[%mul3A_2, %dma_start3A_249] : memref<16384x64xf32, #tpu.memory_space<hbm>> -> memref<512x64xf32, #tpu.memory_space<hbm>>
      tpu.enqueue_dma source(%arg14 : memref<512x64xf32, #tpu.memory_space<vmem>>) target(%dma_start3A_250 : memref<512x64xf32, #tpu.memory_space<hbm>>) target_semaphore(%run_scoped3A : memref<!tpu.dma_semaphore, #tpu.memory_space<semaphore_mem>>)
      %dma_wait3A_251 = arith.constant 0 : i32
      %dma_wait3A_252 = tpu.memref_slice %arg8[%mul3A_2, %dma_wait3A_251] : memref<16384x64xf32, #tpu.memory_space<hbm>> -> memref<512x64xf32, #tpu.memory_space<hbm>>
      %dma_wait3A_253 = arith.constant 0 : i32
      %dma_wait3A_254 = tpu.memref_slice %arg8[%mul3A_2, %dma_wait3A_253] : memref<16384x64xf32, #tpu.memory_space<hbm>> -> memref<512x64xf32, #tpu.memory_space<hbm>>
      tpu.wait_dma2 semaphore(%run_scoped3A : memref<!tpu.dma_semaphore, #tpu.memory_space<semaphore_mem>>) src(%arg14 : memref<512x64xf32, #tpu.memory_space<vmem>>) dst(%dma_wait3A_254 : memref<512x64xf32, #tpu.memory_space<hbm>>)
      tpu.yield
    }) : () -> ()
    "tpu.region"() ({
      %run_scoped3A = tpu.sem_alloc : memref<!tpu.dma_semaphore, #tpu.memory_space<semaphore_mem>>
      %dma_start3A_247 = arith.constant 0 : i32
      %dma_start3A_248 = tpu.memref_slice %arg9[%mul3A_2, %dma_start3A_247] : memref<16384x64xf32, #tpu.memory_space<hbm>> -> memref<512x64xf32, #tpu.memory_space<hbm>>
      %dma_start3A_249 = arith.constant 0 : i32
      %dma_start3A_250 = tpu.memref_slice %arg9[%mul3A_2, %dma_start3A_249] : memref<16384x64xf32, #tpu.memory_space<hbm>> -> memref<512x64xf32, #tpu.memory_space<hbm>>
      tpu.enqueue_dma source(%arg15 : memref<512x64xf32, #tpu.memory_space<vmem>>) target(%dma_start3A_250 : memref<512x64xf32, #tpu.memory_space<hbm>>) target_semaphore(%run_scoped3A : memref<!tpu.dma_semaphore, #tpu.memory_space<semaphore_mem>>)
      %dma_wait3A_251 = arith.constant 0 : i32
      %dma_wait3A_252 = tpu.memref_slice %arg9[%mul3A_2, %dma_wait3A_251] : memref<16384x64xf32, #tpu.memory_space<hbm>> -> memref<512x64xf32, #tpu.memory_space<hbm>>
      %dma_wait3A_253 = arith.constant 0 : i32
      %dma_wait3A_254 = tpu.memref_slice %arg9[%mul3A_2, %dma_wait3A_253] : memref<16384x64xf32, #tpu.memory_space<hbm>> -> memref<512x64xf32, #tpu.memory_space<hbm>>
      tpu.wait_dma2 semaphore(%run_scoped3A : memref<!tpu.dma_semaphore, #tpu.memory_space<semaphore_mem>>) src(%arg15 : memref<512x64xf32, #tpu.memory_space<vmem>>) dst(%dma_wait3A_254 : memref<512x64xf32, #tpu.memory_space<hbm>>)
      tpu.yield
    }) : () -> ()
    "tpu.region"() ({
      %run_scoped3A = tpu.sem_alloc : memref<!tpu.dma_semaphore, #tpu.memory_space<semaphore_mem>>
      %dma_start3A_247 = arith.constant 0 : i32
      %dma_start3A_248 = tpu.memref_slice %arg10[%mul3A_2, %dma_start3A_247] : memref<16384x64xf32, #tpu.memory_space<hbm>> -> memref<512x64xf32, #tpu.memory_space<hbm>>
      %dma_start3A_249 = arith.constant 0 : i32
      %dma_start3A_250 = tpu.memref_slice %arg10[%mul3A_2, %dma_start3A_249] : memref<16384x64xf32, #tpu.memory_space<hbm>> -> memref<512x64xf32, #tpu.memory_space<hbm>>
      tpu.enqueue_dma source(%arg16 : memref<512x64xf32, #tpu.memory_space<vmem>>) target(%dma_start3A_250 : memref<512x64xf32, #tpu.memory_space<hbm>>) target_semaphore(%run_scoped3A : memref<!tpu.dma_semaphore, #tpu.memory_space<semaphore_mem>>)
      %dma_wait3A_251 = arith.constant 0 : i32
      %dma_wait3A_252 = tpu.memref_slice %arg10[%mul3A_2, %dma_wait3A_251] : memref<16384x64xf32, #tpu.memory_space<hbm>> -> memref<512x64xf32, #tpu.memory_space<hbm>>
      %dma_wait3A_253 = arith.constant 0 : i32
      %dma_wait3A_254 = tpu.memref_slice %arg10[%mul3A_2, %dma_wait3A_253] : memref<16384x64xf32, #tpu.memory_space<hbm>> -> memref<512x64xf32, #tpu.memory_space<hbm>>
      tpu.wait_dma2 semaphore(%run_scoped3A : memref<!tpu.dma_semaphore, #tpu.memory_space<semaphore_mem>>) src(%arg16 : memref<512x64xf32, #tpu.memory_space<vmem>>) dst(%dma_wait3A_254 : memref<512x64xf32, #tpu.memory_space<hbm>>)
      tpu.yield
    }) : () -> ()
    return
  }
}

module attributes {stable_mosaic.version = 14 : i64} {
  func.func @_scan_body(%arg0: i32, %arg1: memref<16x64x64xf32, #tpu.memory_space<vmem>>, %arg2: memref<16x64x64xf32, #tpu.memory_space<vmem>>, %arg3: memref<16x64x64xf32, #tpu.memory_space<vmem>>, %arg4: memref<577x2048xbf16, #tpu.memory_space<vmem>>, %arg5: memref<16x64x512xbf16, #tpu.memory_space<vmem>>, %arg6: memref<1x64x512xf32, #tpu.memory_space<vmem>>, %arg7: memref<1x64x512xf32, #tpu.memory_space<vmem>>, %arg8: memref<64x512xf32, #tpu.memory_space<vmem>>, %arg9: memref<64x512xf32, #tpu.memory_space<vmem>>) attributes {dimension_semantics = [#tpu.dimension_semantics<arbitrary>], iteration_bounds = array<i64: 16>, scalar_prefetch = 0 : i64, scratch_operands = 2 : i64, tpu.core_type = #tpu.core_type<tc>, window_params = [{transform_indices = @transform_0, window_bounds = array<i64: 16, 64, 64>}, {transform_indices = @transform_1, window_bounds = array<i64: 16, 64, 64>}, {transform_indices = @transform_2, window_bounds = array<i64: 16, 64, 64>}, {pipeline_mode = #tpu.pipeline_mode<synchronous>, transform_indices = @transform_3, window_bounds = array<i64: 577, 2048>}, {transform_indices = @transform_4, window_bounds = array<i64: 16, 64, 512>}, {pipeline_mode = #tpu.pipeline_mode<synchronous>, transform_indices = @transform_5, window_bounds = array<i64: 1, 64, 512>}, {pipeline_mode = #tpu.pipeline_mode<synchronous>, transform_indices = @transform_6, window_bounds = array<i64: 1, 64, 512>}]} {
    %eq3A = arith.constant 0 : i32
    %eq3A_0 = arith.cmpi eq, %arg0, %eq3A : i32
    %convert_element_type3A = arith.extui %eq3A_0 : i1 to i32
    %cond3A = arith.constant 0 : i32
    %cond3A_1 = arith.cmpi ne, %convert_element_type3A, %cond3A : i32
    scf.if %cond3A_1 {
      %broadcast_in_dim3A_877 = arith.constant 0.000000e+00 : f32
      %broadcast_in_dim3A_878 = vector.broadcast %broadcast_in_dim3A_877 : f32 to vector<64x512xf32>
      %swap3A_879 = arith.constant 0 : index
      %swap3A_880 = arith.constant 0 : index
      %swap3A_881 = vector.load %arg8[%swap3A_879, %swap3A_880] : memref<64x512xf32, #tpu.memory_space<vmem>>, vector<64x512xf32>
      tpu.vector_store %arg8[%swap3A_879, %swap3A_880], %broadcast_in_dim3A_878 {strides = array<i32>} : memref<64x512xf32, #tpu.memory_space<vmem>>, vector<64x512xf32>,
      %broadcast_in_dim3A_882 = arith.constant 0.000000e+00 : f32
      %broadcast_in_dim3A_883 = vector.broadcast %broadcast_in_dim3A_882 : f32 to vector<64x512xf32>
      %swap3A_884 = arith.constant 0 : index
      %swap3A_885 = arith.constant 0 : index
      %swap3A_886 = vector.load %arg9[%swap3A_884, %swap3A_885] : memref<64x512xf32, #tpu.memory_space<vmem>>, vector<64x512xf32>
      tpu.vector_store %arg9[%swap3A_884, %swap3A_885], %broadcast_in_dim3A_883 {strides = array<i32>} : memref<64x512xf32, #tpu.memory_space<vmem>>, vector<64x512xf32>,
    } else {
    }
    %get3A = arith.constant 0 : index
    %get3A_2 = arith.constant 0 : index
    %get3A_3 = arith.constant 0 : index
    %get3A_4 = vector.load %arg1[%get3A, %get3A_2, %get3A_3] : memref<16x64x64xf32, #tpu.memory_space<vmem>>, vector<16x64x64xf32>
    %get3A_5 = arith.constant 0 : index
    %get3A_6 = arith.constant 0 : index
    %get3A_7 = arith.constant 0 : index
    %get3A_8 = vector.load %arg2[%get3A_5, %get3A_6, %get3A_7] : memref<16x64x64xf32, #tpu.memory_space<vmem>>, vector<16x64x64xf32>
    %add3A = arith.addf %get3A_4, %get3A_8 : vector<16x64x64xf32>
    %get3A_9 = arith.constant 0 : index
    %get3A_10 = arith.constant 0 : index
    %get3A_11 = arith.constant 0 : index
    %get3A_12 = vector.load %arg3[%get3A_9, %get3A_10, %get3A_11] : memref<16x64x64xf32, #tpu.memory_space<vmem>>, vector<16x64x64xf32>
    %add3A_13 = arith.addf %add3A, %get3A_12 : vector<16x64x64xf32>
    %convert_element_type3A_14 = arith.truncf %add3A_13 : vector<16x64x64xf32> to vector<16x64x64xbf16>
    %broadcast_in_dim3A = arith.constant 1.000000e+00 : bf16
    %broadcast_in_dim3A_15 = vector.broadcast %broadcast_in_dim3A : bf16 to vector<64x1xbf16>
    %get3A_16 = arith.constant 0 : index
    %get3A_17 = arith.constant 0 : index
    %get3A_18 = vector.load %arg8[%get3A_16, %get3A_17] : memref<64x512xf32, #tpu.memory_space<vmem>>, vector<64x512xf32>
    %get3A_19 = arith.constant 0 : index
    %get3A_20 = arith.constant 0 : index
    %get3A_21 = vector.load %arg9[%get3A_19, %get3A_20] : memref<64x512xf32, #tpu.memory_space<vmem>>, vector<64x512xf32>
    %get3A_22 = arith.constant 0 : index
    %get3A_23 = arith.constant 0 : index
    %get3A_24 = vector.load %arg4[%get3A_22, %get3A_23] : memref<577x2048xbf16, #tpu.memory_space<vmem>>, vector<577x2048xbf16>
    %convert_element_type3A_25 = arith.truncf %get3A_18 : vector<64x512xf32> to vector<64x512xbf16>
    %slice3A = vector.extract_strided_slice %convert_element_type3A_14 {offsets = [0, 0, 0], sizes = [1, 64, 64], strides = [1, 1, 1]} : vector<16x64x64xbf16> to vector<1x64x64xbf16>
    %squeeze3A = vector.shape_cast %slice3A : vector<1x64x64xbf16> to vector<64x64xbf16>
    %concatenate3A = tpu.concatenate %convert_element_type3A_25, %squeeze3A, %broadcast_in_dim3A_15 in 1 : vector<64x512xbf16>, vector<64x64xbf16>, vector<64x1xbf16> -> vector<64x577xbf16>
    %dot_general3A = arith.constant dense<0.000000e+00> : vector<64x2048xf32>
    %dot_general3A_26 = tpu.matmul %concatenate3A, %get3A_24, %dot_general3A {dimension_numbers = #tpu.dot_dimension_numbers<[1], [0], [0], [1], [0, 0, 1, 1], [], []>, transpose_lhs_hint = false} : vector<64x577xbf16>, vector<577x2048xbf16>, vector<64x2048xf32> -> vector<64x2048xf32>
    %slice3A_27 = vector.extract_strided_slice %dot_general3A_26 {offsets = [0, 0], sizes = [64, 512], strides = [1, 1]} : vector<64x2048xf32> to vector<64x512xf32>
    %mul3A = arith.constant 5.000000e-01 : f32
    %mul3A_28 = vector.broadcast %mul3A : f32 to vector<64x512xf32>
    %mul3A_29 = arith.mulf %mul3A_28, %slice3A_27 : vector<64x512xf32>
    %tanh3A = math.tanh %mul3A_29 : vector<64x512xf32>
    %mul3A_30 = arith.constant 5.000000e-01 : f32
    %mul3A_31 = vector.broadcast %mul3A_30 : f32 to vector<64x512xf32>
    %mul3A_32 = arith.mulf %mul3A_31, %tanh3A : vector<64x512xf32>
    %add3A_33 = arith.constant 5.000000e-01 : f32
    %add3A_34 = vector.broadcast %add3A_33 : f32 to vector<64x512xf32>
    %add3A_35 = arith.addf %mul3A_32, %add3A_34 : vector<64x512xf32>
    %slice3A_36 = vector.extract_strided_slice %dot_general3A_26 {offsets = [0, 512], sizes = [64, 512], strides = [1, 1]} : vector<64x2048xf32> to vector<64x512xf32>
    %mul3A_37 = arith.constant 5.000000e-01 : f32
    %mul3A_38 = vector.broadcast %mul3A_37 : f32 to vector<64x512xf32>
    %mul3A_39 = arith.mulf %mul3A_38, %slice3A_36 : vector<64x512xf32>
    %tanh3A_40 = math.tanh %mul3A_39 : vector<64x512xf32>
    %mul3A_41 = arith.constant 5.000000e-01 : f32
    %mul3A_42 = vector.broadcast %mul3A_41 : f32 to vector<64x512xf32>
    %mul3A_43 = arith.mulf %mul3A_42, %tanh3A_40 : vector<64x512xf32>
    %add3A_44 = arith.constant 5.000000e-01 : f32
    %add3A_45 = vector.broadcast %add3A_44 : f32 to vector<64x512xf32>
    %add3A_46 = arith.addf %mul3A_43, %add3A_45 : vector<64x512xf32>
    %slice3A_47 = vector.extract_strided_slice %dot_general3A_26 {offsets = [0, 1024], sizes = [64, 512], strides = [1, 1]} : vector<64x2048xf32> to vector<64x512xf32>
    %tanh3A_48 = math.tanh %slice3A_47 : vector<64x512xf32>
    %slice3A_49 = vector.extract_strided_slice %dot_general3A_26 {offsets = [0, 1536], sizes = [64, 512], strides = [1, 1]} : vector<64x2048xf32> to vector<64x512xf32>
    %mul3A_50 = arith.constant 5.000000e-01 : f32
    %mul3A_51 = vector.broadcast %mul3A_50 : f32 to vector<64x512xf32>
    %mul3A_52 = arith.mulf %mul3A_51, %slice3A_49 : vector<64x512xf32>
    %tanh3A_53 = math.tanh %mul3A_52 : vector<64x512xf32>
    %mul3A_54 = arith.constant 5.000000e-01 : f32
    %mul3A_55 = vector.broadcast %mul3A_54 : f32 to vector<64x512xf32>
    %mul3A_56 = arith.mulf %mul3A_55, %tanh3A_53 : vector<64x512xf32>
    %add3A_57 = arith.constant 5.000000e-01 : f32
    %add3A_58 = vector.broadcast %add3A_57 : f32 to vector<64x512xf32>
    %add3A_59 = arith.addf %mul3A_56, %add3A_58 : vector<64x512xf32>
    %mul3A_60 = arith.mulf %add3A_46, %get3A_21 : vector<64x512xf32>
    %mul3A_61 = arith.mulf %add3A_35, %tanh3A_48 : vector<64x512xf32>
    %add3A_62 = arith.addf %mul3A_60, %mul3A_61 : vector<64x512xf32>
    %tanh3A_63 = math.tanh %add3A_62 : vector<64x512xf32>
    %mul3A_64 = arith.mulf %add3A_59, %tanh3A_63 : vector<64x512xf32>
    %convert_element_type3A_65 = arith.truncf %mul3A_64 : vector<64x512xf32> to vector<64x512xbf16>
    %swap3A = arith.constant 0 : index
    %swap3A_66 = arith.constant 0 : index
    %swap3A_67 = arith.constant 0 : index
    %swap3A_68 = vector.load %arg5[%swap3A, %swap3A_66, %swap3A_67] : memref<16x64x512xbf16, #tpu.memory_space<vmem>>, vector<1x64x512xbf16>
    %swap3A_69 = vector.shape_cast %swap3A_68 : vector<1x64x512xbf16> to vector<64x512xbf16>
    %swap3A_70 = vector.shape_cast %convert_element_type3A_65 : vector<64x512xbf16> to vector<1x64x512xbf16>
    tpu.vector_store %arg5[%swap3A, %swap3A_66, %swap3A_67], %swap3A_70 {strides = array<i32>} : memref<16x64x512xbf16, #tpu.memory_space<vmem>>, vector<1x64x512xbf16>,
    %convert_element_type3A_71 = arith.truncf %mul3A_64 : vector<64x512xf32> to vector<64x512xbf16>
    %slice3A_72 = vector.extract_strided_slice %convert_element_type3A_14 {offsets = [1, 0, 0], sizes = [1, 64, 64], strides = [1, 1, 1]} : vector<16x64x64xbf16> to vector<1x64x64xbf16>
    %squeeze3A_73 = vector.shape_cast %slice3A_72 : vector<1x64x64xbf16> to vector<64x64xbf16>
    %concatenate3A_74 = tpu.concatenate %convert_element_type3A_71, %squeeze3A_73, %broadcast_in_dim3A_15 in 1 : vector<64x512xbf16>, vector<64x64xbf16>, vector<64x1xbf16> -> vector<64x577xbf16>
    %dot_general3A_75 = arith.constant dense<0.000000e+00> : vector<64x2048xf32>
    %dot_general3A_76 = tpu.matmul %concatenate3A_74, %get3A_24, %dot_general3A_75 {dimension_numbers = #tpu.dot_dimension_numbers<[1], [0], [0], [1], [0, 0, 1, 1], [], []>, transpose_lhs_hint = false} : vector<64x577xbf16>, vector<577x2048xbf16>, vector<64x2048xf32> -> vector<64x2048xf32>
    %slice3A_77 = vector.extract_strided_slice %dot_general3A_76 {offsets = [0, 0], sizes = [64, 512], strides = [1, 1]} : vector<64x2048xf32> to vector<64x512xf32>
    %mul3A_78 = arith.constant 5.000000e-01 : f32
    %mul3A_79 = vector.broadcast %mul3A_78 : f32 to vector<64x512xf32>
    %mul3A_80 = arith.mulf %mul3A_79, %slice3A_77 : vector<64x512xf32>
    %tanh3A_81 = math.tanh %mul3A_80 : vector<64x512xf32>
    %mul3A_82 = arith.constant 5.000000e-01 : f32
    %mul3A_83 = vector.broadcast %mul3A_82 : f32 to vector<64x512xf32>
    %mul3A_84 = arith.mulf %mul3A_83, %tanh3A_81 : vector<64x512xf32>
    %add3A_85 = arith.constant 5.000000e-01 : f32
    %add3A_86 = vector.broadcast %add3A_85 : f32 to vector<64x512xf32>
    %add3A_87 = arith.addf %mul3A_84, %add3A_86 : vector<64x512xf32>
    %slice3A_88 = vector.extract_strided_slice %dot_general3A_76 {offsets = [0, 512], sizes = [64, 512], strides = [1, 1]} : vector<64x2048xf32> to vector<64x512xf32>
    %mul3A_89 = arith.constant 5.000000e-01 : f32
    %mul3A_90 = vector.broadcast %mul3A_89 : f32 to vector<64x512xf32>
    %mul3A_91 = arith.mulf %mul3A_90, %slice3A_88 : vector<64x512xf32>
    %tanh3A_92 = math.tanh %mul3A_91 : vector<64x512xf32>
    %mul3A_93 = arith.constant 5.000000e-01 : f32
    %mul3A_94 = vector.broadcast %mul3A_93 : f32 to vector<64x512xf32>
    %mul3A_95 = arith.mulf %mul3A_94, %tanh3A_92 : vector<64x512xf32>
    %add3A_96 = arith.constant 5.000000e-01 : f32
    %add3A_97 = vector.broadcast %add3A_96 : f32 to vector<64x512xf32>
    %add3A_98 = arith.addf %mul3A_95, %add3A_97 : vector<64x512xf32>
    %slice3A_99 = vector.extract_strided_slice %dot_general3A_76 {offsets = [0, 1024], sizes = [64, 512], strides = [1, 1]} : vector<64x2048xf32> to vector<64x512xf32>
    %tanh3A_100 = math.tanh %slice3A_99 : vector<64x512xf32>
    %slice3A_101 = vector.extract_strided_slice %dot_general3A_76 {offsets = [0, 1536], sizes = [64, 512], strides = [1, 1]} : vector<64x2048xf32> to vector<64x512xf32>
    %mul3A_102 = arith.constant 5.000000e-01 : f32
    %mul3A_103 = vector.broadcast %mul3A_102 : f32 to vector<64x512xf32>
    %mul3A_104 = arith.mulf %mul3A_103, %slice3A_101 : vector<64x512xf32>
    %tanh3A_105 = math.tanh %mul3A_104 : vector<64x512xf32>
    %mul3A_106 = arith.constant 5.000000e-01 : f32
    %mul3A_107 = vector.broadcast %mul3A_106 : f32 to vector<64x512xf32>
    %mul3A_108 = arith.mulf %mul3A_107, %tanh3A_105 : vector<64x512xf32>
    %add3A_109 = arith.constant 5.000000e-01 : f32
    %add3A_110 = vector.broadcast %add3A_109 : f32 to vector<64x512xf32>
    %add3A_111 = arith.addf %mul3A_108, %add3A_110 : vector<64x512xf32>
    %mul3A_112 = arith.mulf %add3A_98, %add3A_62 : vector<64x512xf32>
    %mul3A_113 = arith.mulf %add3A_87, %tanh3A_100 : vector<64x512xf32>
    %add3A_114 = arith.addf %mul3A_112, %mul3A_113 : vector<64x512xf32>
    %tanh3A_115 = math.tanh %add3A_114 : vector<64x512xf32>
    %mul3A_116 = arith.mulf %add3A_111, %tanh3A_115 : vector<64x512xf32>
    %convert_element_type3A_117 = arith.truncf %mul3A_116 : vector<64x512xf32> to vector<64x512xbf16>
    %swap3A_118 = arith.constant 1 : index
    %swap3A_119 = arith.constant 0 : index
    %swap3A_120 = arith.constant 0 : index
    %swap3A_121 = vector.load %arg5[%swap3A_118, %swap3A_119, %swap3A_120] : memref<16x64x512xbf16, #tpu.memory_space<vmem>>, vector<1x64x512xbf16>
    %swap3A_122 = vector.shape_cast %swap3A_121 : vector<1x64x512xbf16> to vector<64x512xbf16>
    %swap3A_123 = vector.shape_cast %convert_element_type3A_117 : vector<64x512xbf16> to vector<1x64x512xbf16>
    tpu.vector_store %arg5[%swap3A_118, %swap3A_119, %swap3A_120], %swap3A_123 {strides = array<i32>} : memref<16x64x512xbf16, #tpu.memory_space<vmem>>, vector<1x64x512xbf16>,
    %convert_element_type3A_124 = arith.truncf %mul3A_116 : vector<64x512xf32> to vector<64x512xbf16>
    %slice3A_125 = vector.extract_strided_slice %convert_element_type3A_14 {offsets = [2, 0, 0], sizes = [1, 64, 64], strides = [1, 1, 1]} : vector<16x64x64xbf16> to vector<1x64x64xbf16>
    %squeeze3A_126 = vector.shape_cast %slice3A_125 : vector<1x64x64xbf16> to vector<64x64xbf16>
    %concatenate3A_127 = tpu.concatenate %convert_element_type3A_124, %squeeze3A_126, %broadcast_in_dim3A_15 in 1 : vector<64x512xbf16>, vector<64x64xbf16>, vector<64x1xbf16> -> vector<64x577xbf16>
    %dot_general3A_128 = arith.constant dense<0.000000e+00> : vector<64x2048xf32>
    %dot_general3A_129 = tpu.matmul %concatenate3A_127, %get3A_24, %dot_general3A_128 {dimension_numbers = #tpu.dot_dimension_numbers<[1], [0], [0], [1], [0, 0, 1, 1], [], []>, transpose_lhs_hint = false} : vector<64x577xbf16>, vector<577x2048xbf16>, vector<64x2048xf32> -> vector<64x2048xf32>
    %slice3A_130 = vector.extract_strided_slice %dot_general3A_129 {offsets = [0, 0], sizes = [64, 512], strides = [1, 1]} : vector<64x2048xf32> to vector<64x512xf32>
    %mul3A_131 = arith.constant 5.000000e-01 : f32
    %mul3A_132 = vector.broadcast %mul3A_131 : f32 to vector<64x512xf32>
    %mul3A_133 = arith.mulf %mul3A_132, %slice3A_130 : vector<64x512xf32>
    %tanh3A_134 = math.tanh %mul3A_133 : vector<64x512xf32>
    %mul3A_135 = arith.constant 5.000000e-01 : f32
    %mul3A_136 = vector.broadcast %mul3A_135 : f32 to vector<64x512xf32>
    %mul3A_137 = arith.mulf %mul3A_136, %tanh3A_134 : vector<64x512xf32>
    %add3A_138 = arith.constant 5.000000e-01 : f32
    %add3A_139 = vector.broadcast %add3A_138 : f32 to vector<64x512xf32>
    %add3A_140 = arith.addf %mul3A_137, %add3A_139 : vector<64x512xf32>
    %slice3A_141 = vector.extract_strided_slice %dot_general3A_129 {offsets = [0, 512], sizes = [64, 512], strides = [1, 1]} : vector<64x2048xf32> to vector<64x512xf32>
    %mul3A_142 = arith.constant 5.000000e-01 : f32
    %mul3A_143 = vector.broadcast %mul3A_142 : f32 to vector<64x512xf32>
    %mul3A_144 = arith.mulf %mul3A_143, %slice3A_141 : vector<64x512xf32>
    %tanh3A_145 = math.tanh %mul3A_144 : vector<64x512xf32>
    %mul3A_146 = arith.constant 5.000000e-01 : f32
    %mul3A_147 = vector.broadcast %mul3A_146 : f32 to vector<64x512xf32>
    %mul3A_148 = arith.mulf %mul3A_147, %tanh3A_145 : vector<64x512xf32>
    %add3A_149 = arith.constant 5.000000e-01 : f32
    %add3A_150 = vector.broadcast %add3A_149 : f32 to vector<64x512xf32>
    %add3A_151 = arith.addf %mul3A_148, %add3A_150 : vector<64x512xf32>
    %slice3A_152 = vector.extract_strided_slice %dot_general3A_129 {offsets = [0, 1024], sizes = [64, 512], strides = [1, 1]} : vector<64x2048xf32> to vector<64x512xf32>
    %tanh3A_153 = math.tanh %slice3A_152 : vector<64x512xf32>
    %slice3A_154 = vector.extract_strided_slice %dot_general3A_129 {offsets = [0, 1536], sizes = [64, 512], strides = [1, 1]} : vector<64x2048xf32> to vector<64x512xf32>
    %mul3A_155 = arith.constant 5.000000e-01 : f32
    %mul3A_156 = vector.broadcast %mul3A_155 : f32 to vector<64x512xf32>
    %mul3A_157 = arith.mulf %mul3A_156, %slice3A_154 : vector<64x512xf32>
    %tanh3A_158 = math.tanh %mul3A_157 : vector<64x512xf32>
    %mul3A_159 = arith.constant 5.000000e-01 : f32
    %mul3A_160 = vector.broadcast %mul3A_159 : f32 to vector<64x512xf32>
    %mul3A_161 = arith.mulf %mul3A_160, %tanh3A_158 : vector<64x512xf32>
    %add3A_162 = arith.constant 5.000000e-01 : f32
    %add3A_163 = vector.broadcast %add3A_162 : f32 to vector<64x512xf32>
    %add3A_164 = arith.addf %mul3A_161, %add3A_163 : vector<64x512xf32>
    %mul3A_165 = arith.mulf %add3A_151, %add3A_114 : vector<64x512xf32>
    %mul3A_166 = arith.mulf %add3A_140, %tanh3A_153 : vector<64x512xf32>
    %add3A_167 = arith.addf %mul3A_165, %mul3A_166 : vector<64x512xf32>
    %tanh3A_168 = math.tanh %add3A_167 : vector<64x512xf32>
    %mul3A_169 = arith.mulf %add3A_164, %tanh3A_168 : vector<64x512xf32>
    %convert_element_type3A_170 = arith.truncf %mul3A_169 : vector<64x512xf32> to vector<64x512xbf16>
    %swap3A_171 = arith.constant 2 : index
    %swap3A_172 = arith.constant 0 : index
    %swap3A_173 = arith.constant 0 : index
    %swap3A_174 = vector.load %arg5[%swap3A_171, %swap3A_172, %swap3A_173] : memref<16x64x512xbf16, #tpu.memory_space<vmem>>, vector<1x64x512xbf16>
    %swap3A_175 = vector.shape_cast %swap3A_174 : vector<1x64x512xbf16> to vector<64x512xbf16>
    %swap3A_176 = vector.shape_cast %convert_element_type3A_170 : vector<64x512xbf16> to vector<1x64x512xbf16>
    tpu.vector_store %arg5[%swap3A_171, %swap3A_172, %swap3A_173], %swap3A_176 {strides = array<i32>} : memref<16x64x512xbf16, #tpu.memory_space<vmem>>, vector<1x64x512xbf16>,
    %convert_element_type3A_177 = arith.truncf %mul3A_169 : vector<64x512xf32> to vector<64x512xbf16>
    %slice3A_178 = vector.extract_strided_slice %convert_element_type3A_14 {offsets = [3, 0, 0], sizes = [1, 64, 64], strides = [1, 1, 1]} : vector<16x64x64xbf16> to vector<1x64x64xbf16>
    %squeeze3A_179 = vector.shape_cast %slice3A_178 : vector<1x64x64xbf16> to vector<64x64xbf16>
    %concatenate3A_180 = tpu.concatenate %convert_element_type3A_177, %squeeze3A_179, %broadcast_in_dim3A_15 in 1 : vector<64x512xbf16>, vector<64x64xbf16>, vector<64x1xbf16> -> vector<64x577xbf16>
    %dot_general3A_181 = arith.constant dense<0.000000e+00> : vector<64x2048xf32>
    %dot_general3A_182 = tpu.matmul %concatenate3A_180, %get3A_24, %dot_general3A_181 {dimension_numbers = #tpu.dot_dimension_numbers<[1], [0], [0], [1], [0, 0, 1, 1], [], []>, transpose_lhs_hint = false} : vector<64x577xbf16>, vector<577x2048xbf16>, vector<64x2048xf32> -> vector<64x2048xf32>
    %slice3A_183 = vector.extract_strided_slice %dot_general3A_182 {offsets = [0, 0], sizes = [64, 512], strides = [1, 1]} : vector<64x2048xf32> to vector<64x512xf32>
    %mul3A_184 = arith.constant 5.000000e-01 : f32
    %mul3A_185 = vector.broadcast %mul3A_184 : f32 to vector<64x512xf32>
    %mul3A_186 = arith.mulf %mul3A_185, %slice3A_183 : vector<64x512xf32>
    %tanh3A_187 = math.tanh %mul3A_186 : vector<64x512xf32>
    %mul3A_188 = arith.constant 5.000000e-01 : f32
    %mul3A_189 = vector.broadcast %mul3A_188 : f32 to vector<64x512xf32>
    %mul3A_190 = arith.mulf %mul3A_189, %tanh3A_187 : vector<64x512xf32>
    %add3A_191 = arith.constant 5.000000e-01 : f32
    %add3A_192 = vector.broadcast %add3A_191 : f32 to vector<64x512xf32>
    %add3A_193 = arith.addf %mul3A_190, %add3A_192 : vector<64x512xf32>
    %slice3A_194 = vector.extract_strided_slice %dot_general3A_182 {offsets = [0, 512], sizes = [64, 512], strides = [1, 1]} : vector<64x2048xf32> to vector<64x512xf32>
    %mul3A_195 = arith.constant 5.000000e-01 : f32
    %mul3A_196 = vector.broadcast %mul3A_195 : f32 to vector<64x512xf32>
    %mul3A_197 = arith.mulf %mul3A_196, %slice3A_194 : vector<64x512xf32>
    %tanh3A_198 = math.tanh %mul3A_197 : vector<64x512xf32>
    %mul3A_199 = arith.constant 5.000000e-01 : f32
    %mul3A_200 = vector.broadcast %mul3A_199 : f32 to vector<64x512xf32>
    %mul3A_201 = arith.mulf %mul3A_200, %tanh3A_198 : vector<64x512xf32>
    %add3A_202 = arith.constant 5.000000e-01 : f32
    %add3A_203 = vector.broadcast %add3A_202 : f32 to vector<64x512xf32>
    %add3A_204 = arith.addf %mul3A_201, %add3A_203 : vector<64x512xf32>
    %slice3A_205 = vector.extract_strided_slice %dot_general3A_182 {offsets = [0, 1024], sizes = [64, 512], strides = [1, 1]} : vector<64x2048xf32> to vector<64x512xf32>
    %tanh3A_206 = math.tanh %slice3A_205 : vector<64x512xf32>
    %slice3A_207 = vector.extract_strided_slice %dot_general3A_182 {offsets = [0, 1536], sizes = [64, 512], strides = [1, 1]} : vector<64x2048xf32> to vector<64x512xf32>
    %mul3A_208 = arith.constant 5.000000e-01 : f32
    %mul3A_209 = vector.broadcast %mul3A_208 : f32 to vector<64x512xf32>
    %mul3A_210 = arith.mulf %mul3A_209, %slice3A_207 : vector<64x512xf32>
    %tanh3A_211 = math.tanh %mul3A_210 : vector<64x512xf32>
    %mul3A_212 = arith.constant 5.000000e-01 : f32
    %mul3A_213 = vector.broadcast %mul3A_212 : f32 to vector<64x512xf32>
    %mul3A_214 = arith.mulf %mul3A_213, %tanh3A_211 : vector<64x512xf32>
    %add3A_215 = arith.constant 5.000000e-01 : f32
    %add3A_216 = vector.broadcast %add3A_215 : f32 to vector<64x512xf32>
    %add3A_217 = arith.addf %mul3A_214, %add3A_216 : vector<64x512xf32>
    %mul3A_218 = arith.mulf %add3A_204, %add3A_167 : vector<64x512xf32>
    %mul3A_219 = arith.mulf %add3A_193, %tanh3A_206 : vector<64x512xf32>
    %add3A_220 = arith.addf %mul3A_218, %mul3A_219 : vector<64x512xf32>
    %tanh3A_221 = math.tanh %add3A_220 : vector<64x512xf32>
    %mul3A_222 = arith.mulf %add3A_217, %tanh3A_221 : vector<64x512xf32>
    %convert_element_type3A_223 = arith.truncf %mul3A_222 : vector<64x512xf32> to vector<64x512xbf16>
    %swap3A_224 = arith.constant 3 : index
    %swap3A_225 = arith.constant 0 : index
    %swap3A_226 = arith.constant 0 : index
    %swap3A_227 = vector.load %arg5[%swap3A_224, %swap3A_225, %swap3A_226] : memref<16x64x512xbf16, #tpu.memory_space<vmem>>, vector<1x64x512xbf16>
    %swap3A_228 = vector.shape_cast %swap3A_227 : vector<1x64x512xbf16> to vector<64x512xbf16>
    %swap3A_229 = vector.shape_cast %convert_element_type3A_223 : vector<64x512xbf16> to vector<1x64x512xbf16>
    tpu.vector_store %arg5[%swap3A_224, %swap3A_225, %swap3A_226], %swap3A_229 {strides = array<i32>} : memref<16x64x512xbf16, #tpu.memory_space<vmem>>, vector<1x64x512xbf16>,
    %convert_element_type3A_230 = arith.truncf %mul3A_222 : vector<64x512xf32> to vector<64x512xbf16>
    %slice3A_231 = vector.extract_strided_slice %convert_element_type3A_14 {offsets = [4, 0, 0], sizes = [1, 64, 64], strides = [1, 1, 1]} : vector<16x64x64xbf16> to vector<1x64x64xbf16>
    %squeeze3A_232 = vector.shape_cast %slice3A_231 : vector<1x64x64xbf16> to vector<64x64xbf16>
    %concatenate3A_233 = tpu.concatenate %convert_element_type3A_230, %squeeze3A_232, %broadcast_in_dim3A_15 in 1 : vector<64x512xbf16>, vector<64x64xbf16>, vector<64x1xbf16> -> vector<64x577xbf16>
    %dot_general3A_234 = arith.constant dense<0.000000e+00> : vector<64x2048xf32>
    %dot_general3A_235 = tpu.matmul %concatenate3A_233, %get3A_24, %dot_general3A_234 {dimension_numbers = #tpu.dot_dimension_numbers<[1], [0], [0], [1], [0, 0, 1, 1], [], []>, transpose_lhs_hint = false} : vector<64x577xbf16>, vector<577x2048xbf16>, vector<64x2048xf32> -> vector<64x2048xf32>
    %slice3A_236 = vector.extract_strided_slice %dot_general3A_235 {offsets = [0, 0], sizes = [64, 512], strides = [1, 1]} : vector<64x2048xf32> to vector<64x512xf32>
    %mul3A_237 = arith.constant 5.000000e-01 : f32
    %mul3A_238 = vector.broadcast %mul3A_237 : f32 to vector<64x512xf32>
    %mul3A_239 = arith.mulf %mul3A_238, %slice3A_236 : vector<64x512xf32>
    %tanh3A_240 = math.tanh %mul3A_239 : vector<64x512xf32>
    %mul3A_241 = arith.constant 5.000000e-01 : f32
    %mul3A_242 = vector.broadcast %mul3A_241 : f32 to vector<64x512xf32>
    %mul3A_243 = arith.mulf %mul3A_242, %tanh3A_240 : vector<64x512xf32>
    %add3A_244 = arith.constant 5.000000e-01 : f32
    %add3A_245 = vector.broadcast %add3A_244 : f32 to vector<64x512xf32>
    %add3A_246 = arith.addf %mul3A_243, %add3A_245 : vector<64x512xf32>
    %slice3A_247 = vector.extract_strided_slice %dot_general3A_235 {offsets = [0, 512], sizes = [64, 512], strides = [1, 1]} : vector<64x2048xf32> to vector<64x512xf32>
    %mul3A_248 = arith.constant 5.000000e-01 : f32
    %mul3A_249 = vector.broadcast %mul3A_248 : f32 to vector<64x512xf32>
    %mul3A_250 = arith.mulf %mul3A_249, %slice3A_247 : vector<64x512xf32>
    %tanh3A_251 = math.tanh %mul3A_250 : vector<64x512xf32>
    %mul3A_252 = arith.constant 5.000000e-01 : f32
    %mul3A_253 = vector.broadcast %mul3A_252 : f32 to vector<64x512xf32>
    %mul3A_254 = arith.mulf %mul3A_253, %tanh3A_251 : vector<64x512xf32>
    %add3A_255 = arith.constant 5.000000e-01 : f32
    %add3A_256 = vector.broadcast %add3A_255 : f32 to vector<64x512xf32>
    %add3A_257 = arith.addf %mul3A_254, %add3A_256 : vector<64x512xf32>
    %slice3A_258 = vector.extract_strided_slice %dot_general3A_235 {offsets = [0, 1024], sizes = [64, 512], strides = [1, 1]} : vector<64x2048xf32> to vector<64x512xf32>
    %tanh3A_259 = math.tanh %slice3A_258 : vector<64x512xf32>
    %slice3A_260 = vector.extract_strided_slice %dot_general3A_235 {offsets = [0, 1536], sizes = [64, 512], strides = [1, 1]} : vector<64x2048xf32> to vector<64x512xf32>
    %mul3A_261 = arith.constant 5.000000e-01 : f32
    %mul3A_262 = vector.broadcast %mul3A_261 : f32 to vector<64x512xf32>
    %mul3A_263 = arith.mulf %mul3A_262, %slice3A_260 : vector<64x512xf32>
    %tanh3A_264 = math.tanh %mul3A_263 : vector<64x512xf32>
    %mul3A_265 = arith.constant 5.000000e-01 : f32
    %mul3A_266 = vector.broadcast %mul3A_265 : f32 to vector<64x512xf32>
    %mul3A_267 = arith.mulf %mul3A_266, %tanh3A_264 : vector<64x512xf32>
    %add3A_268 = arith.constant 5.000000e-01 : f32
    %add3A_269 = vector.broadcast %add3A_268 : f32 to vector<64x512xf32>
    %add3A_270 = arith.addf %mul3A_267, %add3A_269 : vector<64x512xf32>
    %mul3A_271 = arith.mulf %add3A_257, %add3A_220 : vector<64x512xf32>
    %mul3A_272 = arith.mulf %add3A_246, %tanh3A_259 : vector<64x512xf32>
    %add3A_273 = arith.addf %mul3A_271, %mul3A_272 : vector<64x512xf32>
    %tanh3A_274 = math.tanh %add3A_273 : vector<64x512xf32>
    %mul3A_275 = arith.mulf %add3A_270, %tanh3A_274 : vector<64x512xf32>
    %convert_element_type3A_276 = arith.truncf %mul3A_275 : vector<64x512xf32> to vector<64x512xbf16>
    %swap3A_277 = arith.constant 4 : index
    %swap3A_278 = arith.constant 0 : index
    %swap3A_279 = arith.constant 0 : index
    %swap3A_280 = vector.load %arg5[%swap3A_277, %swap3A_278, %swap3A_279] : memref<16x64x512xbf16, #tpu.memory_space<vmem>>, vector<1x64x512xbf16>
    %swap3A_281 = vector.shape_cast %swap3A_280 : vector<1x64x512xbf16> to vector<64x512xbf16>
    %swap3A_282 = vector.shape_cast %convert_element_type3A_276 : vector<64x512xbf16> to vector<1x64x512xbf16>
    tpu.vector_store %arg5[%swap3A_277, %swap3A_278, %swap3A_279], %swap3A_282 {strides = array<i32>} : memref<16x64x512xbf16, #tpu.memory_space<vmem>>, vector<1x64x512xbf16>,
    %convert_element_type3A_283 = arith.truncf %mul3A_275 : vector<64x512xf32> to vector<64x512xbf16>
    %slice3A_284 = vector.extract_strided_slice %convert_element_type3A_14 {offsets = [5, 0, 0], sizes = [1, 64, 64], strides = [1, 1, 1]} : vector<16x64x64xbf16> to vector<1x64x64xbf16>
    %squeeze3A_285 = vector.shape_cast %slice3A_284 : vector<1x64x64xbf16> to vector<64x64xbf16>
    %concatenate3A_286 = tpu.concatenate %convert_element_type3A_283, %squeeze3A_285, %broadcast_in_dim3A_15 in 1 : vector<64x512xbf16>, vector<64x64xbf16>, vector<64x1xbf16> -> vector<64x577xbf16>
    %dot_general3A_287 = arith.constant dense<0.000000e+00> : vector<64x2048xf32>
    %dot_general3A_288 = tpu.matmul %concatenate3A_286, %get3A_24, %dot_general3A_287 {dimension_numbers = #tpu.dot_dimension_numbers<[1], [0], [0], [1], [0, 0, 1, 1], [], []>, transpose_lhs_hint = false} : vector<64x577xbf16>, vector<577x2048xbf16>, vector<64x2048xf32> -> vector<64x2048xf32>
    %slice3A_289 = vector.extract_strided_slice %dot_general3A_288 {offsets = [0, 0], sizes = [64, 512], strides = [1, 1]} : vector<64x2048xf32> to vector<64x512xf32>
    %mul3A_290 = arith.constant 5.000000e-01 : f32
    %mul3A_291 = vector.broadcast %mul3A_290 : f32 to vector<64x512xf32>
    %mul3A_292 = arith.mulf %mul3A_291, %slice3A_289 : vector<64x512xf32>
    %tanh3A_293 = math.tanh %mul3A_292 : vector<64x512xf32>
    %mul3A_294 = arith.constant 5.000000e-01 : f32
    %mul3A_295 = vector.broadcast %mul3A_294 : f32 to vector<64x512xf32>
    %mul3A_296 = arith.mulf %mul3A_295, %tanh3A_293 : vector<64x512xf32>
    %add3A_297 = arith.constant 5.000000e-01 : f32
    %add3A_298 = vector.broadcast %add3A_297 : f32 to vector<64x512xf32>
    %add3A_299 = arith.addf %mul3A_296, %add3A_298 : vector<64x512xf32>
    %slice3A_300 = vector.extract_strided_slice %dot_general3A_288 {offsets = [0, 512], sizes = [64, 512], strides = [1, 1]} : vector<64x2048xf32> to vector<64x512xf32>
    %mul3A_301 = arith.constant 5.000000e-01 : f32
    %mul3A_302 = vector.broadcast %mul3A_301 : f32 to vector<64x512xf32>
    %mul3A_303 = arith.mulf %mul3A_302, %slice3A_300 : vector<64x512xf32>
    %tanh3A_304 = math.tanh %mul3A_303 : vector<64x512xf32>
    %mul3A_305 = arith.constant 5.000000e-01 : f32
    %mul3A_306 = vector.broadcast %mul3A_305 : f32 to vector<64x512xf32>
    %mul3A_307 = arith.mulf %mul3A_306, %tanh3A_304 : vector<64x512xf32>
    %add3A_308 = arith.constant 5.000000e-01 : f32
    %add3A_309 = vector.broadcast %add3A_308 : f32 to vector<64x512xf32>
    %add3A_310 = arith.addf %mul3A_307, %add3A_309 : vector<64x512xf32>
    %slice3A_311 = vector.extract_strided_slice %dot_general3A_288 {offsets = [0, 1024], sizes = [64, 512], strides = [1, 1]} : vector<64x2048xf32> to vector<64x512xf32>
    %tanh3A_312 = math.tanh %slice3A_311 : vector<64x512xf32>
    %slice3A_313 = vector.extract_strided_slice %dot_general3A_288 {offsets = [0, 1536], sizes = [64, 512], strides = [1, 1]} : vector<64x2048xf32> to vector<64x512xf32>
    %mul3A_314 = arith.constant 5.000000e-01 : f32
    %mul3A_315 = vector.broadcast %mul3A_314 : f32 to vector<64x512xf32>
    %mul3A_316 = arith.mulf %mul3A_315, %slice3A_313 : vector<64x512xf32>
    %tanh3A_317 = math.tanh %mul3A_316 : vector<64x512xf32>
    %mul3A_318 = arith.constant 5.000000e-01 : f32
    %mul3A_319 = vector.broadcast %mul3A_318 : f32 to vector<64x512xf32>
    %mul3A_320 = arith.mulf %mul3A_319, %tanh3A_317 : vector<64x512xf32>
    %add3A_321 = arith.constant 5.000000e-01 : f32
    %add3A_322 = vector.broadcast %add3A_321 : f32 to vector<64x512xf32>
    %add3A_323 = arith.addf %mul3A_320, %add3A_322 : vector<64x512xf32>
    %mul3A_324 = arith.mulf %add3A_310, %add3A_273 : vector<64x512xf32>
    %mul3A_325 = arith.mulf %add3A_299, %tanh3A_312 : vector<64x512xf32>
    %add3A_326 = arith.addf %mul3A_324, %mul3A_325 : vector<64x512xf32>
    %tanh3A_327 = math.tanh %add3A_326 : vector<64x512xf32>
    %mul3A_328 = arith.mulf %add3A_323, %tanh3A_327 : vector<64x512xf32>
    %convert_element_type3A_329 = arith.truncf %mul3A_328 : vector<64x512xf32> to vector<64x512xbf16>
    %swap3A_330 = arith.constant 5 : index
    %swap3A_331 = arith.constant 0 : index
    %swap3A_332 = arith.constant 0 : index
    %swap3A_333 = vector.load %arg5[%swap3A_330, %swap3A_331, %swap3A_332] : memref<16x64x512xbf16, #tpu.memory_space<vmem>>, vector<1x64x512xbf16>
    %swap3A_334 = vector.shape_cast %swap3A_333 : vector<1x64x512xbf16> to vector<64x512xbf16>
    %swap3A_335 = vector.shape_cast %convert_element_type3A_329 : vector<64x512xbf16> to vector<1x64x512xbf16>
    tpu.vector_store %arg5[%swap3A_330, %swap3A_331, %swap3A_332], %swap3A_335 {strides = array<i32>} : memref<16x64x512xbf16, #tpu.memory_space<vmem>>, vector<1x64x512xbf16>,
    %convert_element_type3A_336 = arith.truncf %mul3A_328 : vector<64x512xf32> to vector<64x512xbf16>
    %slice3A_337 = vector.extract_strided_slice %convert_element_type3A_14 {offsets = [6, 0, 0], sizes = [1, 64, 64], strides = [1, 1, 1]} : vector<16x64x64xbf16> to vector<1x64x64xbf16>
    %squeeze3A_338 = vector.shape_cast %slice3A_337 : vector<1x64x64xbf16> to vector<64x64xbf16>
    %concatenate3A_339 = tpu.concatenate %convert_element_type3A_336, %squeeze3A_338, %broadcast_in_dim3A_15 in 1 : vector<64x512xbf16>, vector<64x64xbf16>, vector<64x1xbf16> -> vector<64x577xbf16>
    %dot_general3A_340 = arith.constant dense<0.000000e+00> : vector<64x2048xf32>
    %dot_general3A_341 = tpu.matmul %concatenate3A_339, %get3A_24, %dot_general3A_340 {dimension_numbers = #tpu.dot_dimension_numbers<[1], [0], [0], [1], [0, 0, 1, 1], [], []>, transpose_lhs_hint = false} : vector<64x577xbf16>, vector<577x2048xbf16>, vector<64x2048xf32> -> vector<64x2048xf32>
    %slice3A_342 = vector.extract_strided_slice %dot_general3A_341 {offsets = [0, 0], sizes = [64, 512], strides = [1, 1]} : vector<64x2048xf32> to vector<64x512xf32>
    %mul3A_343 = arith.constant 5.000000e-01 : f32
    %mul3A_344 = vector.broadcast %mul3A_343 : f32 to vector<64x512xf32>
    %mul3A_345 = arith.mulf %mul3A_344, %slice3A_342 : vector<64x512xf32>
    %tanh3A_346 = math.tanh %mul3A_345 : vector<64x512xf32>
    %mul3A_347 = arith.constant 5.000000e-01 : f32
    %mul3A_348 = vector.broadcast %mul3A_347 : f32 to vector<64x512xf32>
    %mul3A_349 = arith.mulf %mul3A_348, %tanh3A_346 : vector<64x512xf32>
    %add3A_350 = arith.constant 5.000000e-01 : f32
    %add3A_351 = vector.broadcast %add3A_350 : f32 to vector<64x512xf32>
    %add3A_352 = arith.addf %mul3A_349, %add3A_351 : vector<64x512xf32>
    %slice3A_353 = vector.extract_strided_slice %dot_general3A_341 {offsets = [0, 512], sizes = [64, 512], strides = [1, 1]} : vector<64x2048xf32> to vector<64x512xf32>
    %mul3A_354 = arith.constant 5.000000e-01 : f32
    %mul3A_355 = vector.broadcast %mul3A_354 : f32 to vector<64x512xf32>
    %mul3A_356 = arith.mulf %mul3A_355, %slice3A_353 : vector<64x512xf32>
    %tanh3A_357 = math.tanh %mul3A_356 : vector<64x512xf32>
    %mul3A_358 = arith.constant 5.000000e-01 : f32
    %mul3A_359 = vector.broadcast %mul3A_358 : f32 to vector<64x512xf32>
    %mul3A_360 = arith.mulf %mul3A_359, %tanh3A_357 : vector<64x512xf32>
    %add3A_361 = arith.constant 5.000000e-01 : f32
    %add3A_362 = vector.broadcast %add3A_361 : f32 to vector<64x512xf32>
    %add3A_363 = arith.addf %mul3A_360, %add3A_362 : vector<64x512xf32>
    %slice3A_364 = vector.extract_strided_slice %dot_general3A_341 {offsets = [0, 1024], sizes = [64, 512], strides = [1, 1]} : vector<64x2048xf32> to vector<64x512xf32>
    %tanh3A_365 = math.tanh %slice3A_364 : vector<64x512xf32>
    %slice3A_366 = vector.extract_strided_slice %dot_general3A_341 {offsets = [0, 1536], sizes = [64, 512], strides = [1, 1]} : vector<64x2048xf32> to vector<64x512xf32>
    %mul3A_367 = arith.constant 5.000000e-01 : f32
    %mul3A_368 = vector.broadcast %mul3A_367 : f32 to vector<64x512xf32>
    %mul3A_369 = arith.mulf %mul3A_368, %slice3A_366 : vector<64x512xf32>
    %tanh3A_370 = math.tanh %mul3A_369 : vector<64x512xf32>
    %mul3A_371 = arith.constant 5.000000e-01 : f32
    %mul3A_372 = vector.broadcast %mul3A_371 : f32 to vector<64x512xf32>
    %mul3A_373 = arith.mulf %mul3A_372, %tanh3A_370 : vector<64x512xf32>
    %add3A_374 = arith.constant 5.000000e-01 : f32
    %add3A_375 = vector.broadcast %add3A_374 : f32 to vector<64x512xf32>
    %add3A_376 = arith.addf %mul3A_373, %add3A_375 : vector<64x512xf32>
    %mul3A_377 = arith.mulf %add3A_363, %add3A_326 : vector<64x512xf32>
    %mul3A_378 = arith.mulf %add3A_352, %tanh3A_365 : vector<64x512xf32>
    %add3A_379 = arith.addf %mul3A_377, %mul3A_378 : vector<64x512xf32>
    %tanh3A_380 = math.tanh %add3A_379 : vector<64x512xf32>
    %mul3A_381 = arith.mulf %add3A_376, %tanh3A_380 : vector<64x512xf32>
    %convert_element_type3A_382 = arith.truncf %mul3A_381 : vector<64x512xf32> to vector<64x512xbf16>
    %swap3A_383 = arith.constant 6 : index
    %swap3A_384 = arith.constant 0 : index
    %swap3A_385 = arith.constant 0 : index
    %swap3A_386 = vector.load %arg5[%swap3A_383, %swap3A_384, %swap3A_385] : memref<16x64x512xbf16, #tpu.memory_space<vmem>>, vector<1x64x512xbf16>
    %swap3A_387 = vector.shape_cast %swap3A_386 : vector<1x64x512xbf16> to vector<64x512xbf16>
    %swap3A_388 = vector.shape_cast %convert_element_type3A_382 : vector<64x512xbf16> to vector<1x64x512xbf16>
    tpu.vector_store %arg5[%swap3A_383, %swap3A_384, %swap3A_385], %swap3A_388 {strides = array<i32>} : memref<16x64x512xbf16, #tpu.memory_space<vmem>>, vector<1x64x512xbf16>,
    %convert_element_type3A_389 = arith.truncf %mul3A_381 : vector<64x512xf32> to vector<64x512xbf16>
    %slice3A_390 = vector.extract_strided_slice %convert_element_type3A_14 {offsets = [7, 0, 0], sizes = [1, 64, 64], strides = [1, 1, 1]} : vector<16x64x64xbf16> to vector<1x64x64xbf16>
    %squeeze3A_391 = vector.shape_cast %slice3A_390 : vector<1x64x64xbf16> to vector<64x64xbf16>
    %concatenate3A_392 = tpu.concatenate %convert_element_type3A_389, %squeeze3A_391, %broadcast_in_dim3A_15 in 1 : vector<64x512xbf16>, vector<64x64xbf16>, vector<64x1xbf16> -> vector<64x577xbf16>
    %dot_general3A_393 = arith.constant dense<0.000000e+00> : vector<64x2048xf32>
    %dot_general3A_394 = tpu.matmul %concatenate3A_392, %get3A_24, %dot_general3A_393 {dimension_numbers = #tpu.dot_dimension_numbers<[1], [0], [0], [1], [0, 0, 1, 1], [], []>, transpose_lhs_hint = false} : vector<64x577xbf16>, vector<577x2048xbf16>, vector<64x2048xf32> -> vector<64x2048xf32>
    %slice3A_395 = vector.extract_strided_slice %dot_general3A_394 {offsets = [0, 0], sizes = [64, 512], strides = [1, 1]} : vector<64x2048xf32> to vector<64x512xf32>
    %mul3A_396 = arith.constant 5.000000e-01 : f32
    %mul3A_397 = vector.broadcast %mul3A_396 : f32 to vector<64x512xf32>
    %mul3A_398 = arith.mulf %mul3A_397, %slice3A_395 : vector<64x512xf32>
    %tanh3A_399 = math.tanh %mul3A_398 : vector<64x512xf32>
    %mul3A_400 = arith.constant 5.000000e-01 : f32
    %mul3A_401 = vector.broadcast %mul3A_400 : f32 to vector<64x512xf32>
    %mul3A_402 = arith.mulf %mul3A_401, %tanh3A_399 : vector<64x512xf32>
    %add3A_403 = arith.constant 5.000000e-01 : f32
    %add3A_404 = vector.broadcast %add3A_403 : f32 to vector<64x512xf32>
    %add3A_405 = arith.addf %mul3A_402, %add3A_404 : vector<64x512xf32>
    %slice3A_406 = vector.extract_strided_slice %dot_general3A_394 {offsets = [0, 512], sizes = [64, 512], strides = [1, 1]} : vector<64x2048xf32> to vector<64x512xf32>
    %mul3A_407 = arith.constant 5.000000e-01 : f32
    %mul3A_408 = vector.broadcast %mul3A_407 : f32 to vector<64x512xf32>
    %mul3A_409 = arith.mulf %mul3A_408, %slice3A_406 : vector<64x512xf32>
    %tanh3A_410 = math.tanh %mul3A_409 : vector<64x512xf32>
    %mul3A_411 = arith.constant 5.000000e-01 : f32
    %mul3A_412 = vector.broadcast %mul3A_411 : f32 to vector<64x512xf32>
    %mul3A_413 = arith.mulf %mul3A_412, %tanh3A_410 : vector<64x512xf32>
    %add3A_414 = arith.constant 5.000000e-01 : f32
    %add3A_415 = vector.broadcast %add3A_414 : f32 to vector<64x512xf32>
    %add3A_416 = arith.addf %mul3A_413, %add3A_415 : vector<64x512xf32>
    %slice3A_417 = vector.extract_strided_slice %dot_general3A_394 {offsets = [0, 1024], sizes = [64, 512], strides = [1, 1]} : vector<64x2048xf32> to vector<64x512xf32>
    %tanh3A_418 = math.tanh %slice3A_417 : vector<64x512xf32>
    %slice3A_419 = vector.extract_strided_slice %dot_general3A_394 {offsets = [0, 1536], sizes = [64, 512], strides = [1, 1]} : vector<64x2048xf32> to vector<64x512xf32>
    %mul3A_420 = arith.constant 5.000000e-01 : f32
    %mul3A_421 = vector.broadcast %mul3A_420 : f32 to vector<64x512xf32>
    %mul3A_422 = arith.mulf %mul3A_421, %slice3A_419 : vector<64x512xf32>
    %tanh3A_423 = math.tanh %mul3A_422 : vector<64x512xf32>
    %mul3A_424 = arith.constant 5.000000e-01 : f32
    %mul3A_425 = vector.broadcast %mul3A_424 : f32 to vector<64x512xf32>
    %mul3A_426 = arith.mulf %mul3A_425, %tanh3A_423 : vector<64x512xf32>
    %add3A_427 = arith.constant 5.000000e-01 : f32
    %add3A_428 = vector.broadcast %add3A_427 : f32 to vector<64x512xf32>
    %add3A_429 = arith.addf %mul3A_426, %add3A_428 : vector<64x512xf32>
    %mul3A_430 = arith.mulf %add3A_416, %add3A_379 : vector<64x512xf32>
    %mul3A_431 = arith.mulf %add3A_405, %tanh3A_418 : vector<64x512xf32>
    %add3A_432 = arith.addf %mul3A_430, %mul3A_431 : vector<64x512xf32>
    %tanh3A_433 = math.tanh %add3A_432 : vector<64x512xf32>
    %mul3A_434 = arith.mulf %add3A_429, %tanh3A_433 : vector<64x512xf32>
    %convert_element_type3A_435 = arith.truncf %mul3A_434 : vector<64x512xf32> to vector<64x512xbf16>
    %swap3A_436 = arith.constant 7 : index
    %swap3A_437 = arith.constant 0 : index
    %swap3A_438 = arith.constant 0 : index
    %swap3A_439 = vector.load %arg5[%swap3A_436, %swap3A_437, %swap3A_438] : memref<16x64x512xbf16, #tpu.memory_space<vmem>>, vector<1x64x512xbf16>
    %swap3A_440 = vector.shape_cast %swap3A_439 : vector<1x64x512xbf16> to vector<64x512xbf16>
    %swap3A_441 = vector.shape_cast %convert_element_type3A_435 : vector<64x512xbf16> to vector<1x64x512xbf16>
    tpu.vector_store %arg5[%swap3A_436, %swap3A_437, %swap3A_438], %swap3A_441 {strides = array<i32>} : memref<16x64x512xbf16, #tpu.memory_space<vmem>>, vector<1x64x512xbf16>,
    %convert_element_type3A_442 = arith.truncf %mul3A_434 : vector<64x512xf32> to vector<64x512xbf16>
    %slice3A_443 = vector.extract_strided_slice %convert_element_type3A_14 {offsets = [8, 0, 0], sizes = [1, 64, 64], strides = [1, 1, 1]} : vector<16x64x64xbf16> to vector<1x64x64xbf16>
    %squeeze3A_444 = vector.shape_cast %slice3A_443 : vector<1x64x64xbf16> to vector<64x64xbf16>
    %concatenate3A_445 = tpu.concatenate %convert_element_type3A_442, %squeeze3A_444, %broadcast_in_dim3A_15 in 1 : vector<64x512xbf16>, vector<64x64xbf16>, vector<64x1xbf16> -> vector<64x577xbf16>
    %dot_general3A_446 = arith.constant dense<0.000000e+00> : vector<64x2048xf32>
    %dot_general3A_447 = tpu.matmul %concatenate3A_445, %get3A_24, %dot_general3A_446 {dimension_numbers = #tpu.dot_dimension_numbers<[1], [0], [0], [1], [0, 0, 1, 1], [], []>, transpose_lhs_hint = false} : vector<64x577xbf16>, vector<577x2048xbf16>, vector<64x2048xf32> -> vector<64x2048xf32>
    %slice3A_448 = vector.extract_strided_slice %dot_general3A_447 {offsets = [0, 0], sizes = [64, 512], strides = [1, 1]} : vector<64x2048xf32> to vector<64x512xf32>
    %mul3A_449 = arith.constant 5.000000e-01 : f32
    %mul3A_450 = vector.broadcast %mul3A_449 : f32 to vector<64x512xf32>
    %mul3A_451 = arith.mulf %mul3A_450, %slice3A_448 : vector<64x512xf32>
    %tanh3A_452 = math.tanh %mul3A_451 : vector<64x512xf32>
    %mul3A_453 = arith.constant 5.000000e-01 : f32
    %mul3A_454 = vector.broadcast %mul3A_453 : f32 to vector<64x512xf32>
    %mul3A_455 = arith.mulf %mul3A_454, %tanh3A_452 : vector<64x512xf32>
    %add3A_456 = arith.constant 5.000000e-01 : f32
    %add3A_457 = vector.broadcast %add3A_456 : f32 to vector<64x512xf32>
    %add3A_458 = arith.addf %mul3A_455, %add3A_457 : vector<64x512xf32>
    %slice3A_459 = vector.extract_strided_slice %dot_general3A_447 {offsets = [0, 512], sizes = [64, 512], strides = [1, 1]} : vector<64x2048xf32> to vector<64x512xf32>
    %mul3A_460 = arith.constant 5.000000e-01 : f32
    %mul3A_461 = vector.broadcast %mul3A_460 : f32 to vector<64x512xf32>
    %mul3A_462 = arith.mulf %mul3A_461, %slice3A_459 : vector<64x512xf32>
    %tanh3A_463 = math.tanh %mul3A_462 : vector<64x512xf32>
    %mul3A_464 = arith.constant 5.000000e-01 : f32
    %mul3A_465 = vector.broadcast %mul3A_464 : f32 to vector<64x512xf32>
    %mul3A_466 = arith.mulf %mul3A_465, %tanh3A_463 : vector<64x512xf32>
    %add3A_467 = arith.constant 5.000000e-01 : f32
    %add3A_468 = vector.broadcast %add3A_467 : f32 to vector<64x512xf32>
    %add3A_469 = arith.addf %mul3A_466, %add3A_468 : vector<64x512xf32>
    %slice3A_470 = vector.extract_strided_slice %dot_general3A_447 {offsets = [0, 1024], sizes = [64, 512], strides = [1, 1]} : vector<64x2048xf32> to vector<64x512xf32>
    %tanh3A_471 = math.tanh %slice3A_470 : vector<64x512xf32>
    %slice3A_472 = vector.extract_strided_slice %dot_general3A_447 {offsets = [0, 1536], sizes = [64, 512], strides = [1, 1]} : vector<64x2048xf32> to vector<64x512xf32>
    %mul3A_473 = arith.constant 5.000000e-01 : f32
    %mul3A_474 = vector.broadcast %mul3A_473 : f32 to vector<64x512xf32>
    %mul3A_475 = arith.mulf %mul3A_474, %slice3A_472 : vector<64x512xf32>
    %tanh3A_476 = math.tanh %mul3A_475 : vector<64x512xf32>
    %mul3A_477 = arith.constant 5.000000e-01 : f32
    %mul3A_478 = vector.broadcast %mul3A_477 : f32 to vector<64x512xf32>
    %mul3A_479 = arith.mulf %mul3A_478, %tanh3A_476 : vector<64x512xf32>
    %add3A_480 = arith.constant 5.000000e-01 : f32
    %add3A_481 = vector.broadcast %add3A_480 : f32 to vector<64x512xf32>
    %add3A_482 = arith.addf %mul3A_479, %add3A_481 : vector<64x512xf32>
    %mul3A_483 = arith.mulf %add3A_469, %add3A_432 : vector<64x512xf32>
    %mul3A_484 = arith.mulf %add3A_458, %tanh3A_471 : vector<64x512xf32>
    %add3A_485 = arith.addf %mul3A_483, %mul3A_484 : vector<64x512xf32>
    %tanh3A_486 = math.tanh %add3A_485 : vector<64x512xf32>
    %mul3A_487 = arith.mulf %add3A_482, %tanh3A_486 : vector<64x512xf32>
    %convert_element_type3A_488 = arith.truncf %mul3A_487 : vector<64x512xf32> to vector<64x512xbf16>
    %swap3A_489 = arith.constant 8 : index
    %swap3A_490 = arith.constant 0 : index
    %swap3A_491 = arith.constant 0 : index
    %swap3A_492 = vector.load %arg5[%swap3A_489, %swap3A_490, %swap3A_491] : memref<16x64x512xbf16, #tpu.memory_space<vmem>>, vector<1x64x512xbf16>
    %swap3A_493 = vector.shape_cast %swap3A_492 : vector<1x64x512xbf16> to vector<64x512xbf16>
    %swap3A_494 = vector.shape_cast %convert_element_type3A_488 : vector<64x512xbf16> to vector<1x64x512xbf16>
    tpu.vector_store %arg5[%swap3A_489, %swap3A_490, %swap3A_491], %swap3A_494 {strides = array<i32>} : memref<16x64x512xbf16, #tpu.memory_space<vmem>>, vector<1x64x512xbf16>,
    %convert_element_type3A_495 = arith.truncf %mul3A_487 : vector<64x512xf32> to vector<64x512xbf16>
    %slice3A_496 = vector.extract_strided_slice %convert_element_type3A_14 {offsets = [9, 0, 0], sizes = [1, 64, 64], strides = [1, 1, 1]} : vector<16x64x64xbf16> to vector<1x64x64xbf16>
    %squeeze3A_497 = vector.shape_cast %slice3A_496 : vector<1x64x64xbf16> to vector<64x64xbf16>
    %concatenate3A_498 = tpu.concatenate %convert_element_type3A_495, %squeeze3A_497, %broadcast_in_dim3A_15 in 1 : vector<64x512xbf16>, vector<64x64xbf16>, vector<64x1xbf16> -> vector<64x577xbf16>
    %dot_general3A_499 = arith.constant dense<0.000000e+00> : vector<64x2048xf32>
    %dot_general3A_500 = tpu.matmul %concatenate3A_498, %get3A_24, %dot_general3A_499 {dimension_numbers = #tpu.dot_dimension_numbers<[1], [0], [0], [1], [0, 0, 1, 1], [], []>, transpose_lhs_hint = false} : vector<64x577xbf16>, vector<577x2048xbf16>, vector<64x2048xf32> -> vector<64x2048xf32>
    %slice3A_501 = vector.extract_strided_slice %dot_general3A_500 {offsets = [0, 0], sizes = [64, 512], strides = [1, 1]} : vector<64x2048xf32> to vector<64x512xf32>
    %mul3A_502 = arith.constant 5.000000e-01 : f32
    %mul3A_503 = vector.broadcast %mul3A_502 : f32 to vector<64x512xf32>
    %mul3A_504 = arith.mulf %mul3A_503, %slice3A_501 : vector<64x512xf32>
    %tanh3A_505 = math.tanh %mul3A_504 : vector<64x512xf32>
    %mul3A_506 = arith.constant 5.000000e-01 : f32
    %mul3A_507 = vector.broadcast %mul3A_506 : f32 to vector<64x512xf32>
    %mul3A_508 = arith.mulf %mul3A_507, %tanh3A_505 : vector<64x512xf32>
    %add3A_509 = arith.constant 5.000000e-01 : f32
    %add3A_510 = vector.broadcast %add3A_509 : f32 to vector<64x512xf32>
    %add3A_511 = arith.addf %mul3A_508, %add3A_510 : vector<64x512xf32>
    %slice3A_512 = vector.extract_strided_slice %dot_general3A_500 {offsets = [0, 512], sizes = [64, 512], strides = [1, 1]} : vector<64x2048xf32> to vector<64x512xf32>
    %mul3A_513 = arith.constant 5.000000e-01 : f32
    %mul3A_514 = vector.broadcast %mul3A_513 : f32 to vector<64x512xf32>
    %mul3A_515 = arith.mulf %mul3A_514, %slice3A_512 : vector<64x512xf32>
    %tanh3A_516 = math.tanh %mul3A_515 : vector<64x512xf32>
    %mul3A_517 = arith.constant 5.000000e-01 : f32
    %mul3A_518 = vector.broadcast %mul3A_517 : f32 to vector<64x512xf32>
    %mul3A_519 = arith.mulf %mul3A_518, %tanh3A_516 : vector<64x512xf32>
    %add3A_520 = arith.constant 5.000000e-01 : f32
    %add3A_521 = vector.broadcast %add3A_520 : f32 to vector<64x512xf32>
    %add3A_522 = arith.addf %mul3A_519, %add3A_521 : vector<64x512xf32>
    %slice3A_523 = vector.extract_strided_slice %dot_general3A_500 {offsets = [0, 1024], sizes = [64, 512], strides = [1, 1]} : vector<64x2048xf32> to vector<64x512xf32>
    %tanh3A_524 = math.tanh %slice3A_523 : vector<64x512xf32>
    %slice3A_525 = vector.extract_strided_slice %dot_general3A_500 {offsets = [0, 1536], sizes = [64, 512], strides = [1, 1]} : vector<64x2048xf32> to vector<64x512xf32>
    %mul3A_526 = arith.constant 5.000000e-01 : f32
    %mul3A_527 = vector.broadcast %mul3A_526 : f32 to vector<64x512xf32>
    %mul3A_528 = arith.mulf %mul3A_527, %slice3A_525 : vector<64x512xf32>
    %tanh3A_529 = math.tanh %mul3A_528 : vector<64x512xf32>
    %mul3A_530 = arith.constant 5.000000e-01 : f32
    %mul3A_531 = vector.broadcast %mul3A_530 : f32 to vector<64x512xf32>
    %mul3A_532 = arith.mulf %mul3A_531, %tanh3A_529 : vector<64x512xf32>
    %add3A_533 = arith.constant 5.000000e-01 : f32
    %add3A_534 = vector.broadcast %add3A_533 : f32 to vector<64x512xf32>
    %add3A_535 = arith.addf %mul3A_532, %add3A_534 : vector<64x512xf32>
    %mul3A_536 = arith.mulf %add3A_522, %add3A_485 : vector<64x512xf32>
    %mul3A_537 = arith.mulf %add3A_511, %tanh3A_524 : vector<64x512xf32>
    %add3A_538 = arith.addf %mul3A_536, %mul3A_537 : vector<64x512xf32>
    %tanh3A_539 = math.tanh %add3A_538 : vector<64x512xf32>
    %mul3A_540 = arith.mulf %add3A_535, %tanh3A_539 : vector<64x512xf32>
    %convert_element_type3A_541 = arith.truncf %mul3A_540 : vector<64x512xf32> to vector<64x512xbf16>
    %swap3A_542 = arith.constant 9 : index
    %swap3A_543 = arith.constant 0 : index
    %swap3A_544 = arith.constant 0 : index
    %swap3A_545 = vector.load %arg5[%swap3A_542, %swap3A_543, %swap3A_544] : memref<16x64x512xbf16, #tpu.memory_space<vmem>>, vector<1x64x512xbf16>
    %swap3A_546 = vector.shape_cast %swap3A_545 : vector<1x64x512xbf16> to vector<64x512xbf16>
    %swap3A_547 = vector.shape_cast %convert_element_type3A_541 : vector<64x512xbf16> to vector<1x64x512xbf16>
    tpu.vector_store %arg5[%swap3A_542, %swap3A_543, %swap3A_544], %swap3A_547 {strides = array<i32>} : memref<16x64x512xbf16, #tpu.memory_space<vmem>>, vector<1x64x512xbf16>,
    %convert_element_type3A_548 = arith.truncf %mul3A_540 : vector<64x512xf32> to vector<64x512xbf16>
    %slice3A_549 = vector.extract_strided_slice %convert_element_type3A_14 {offsets = [10, 0, 0], sizes = [1, 64, 64], strides = [1, 1, 1]} : vector<16x64x64xbf16> to vector<1x64x64xbf16>
    %squeeze3A_550 = vector.shape_cast %slice3A_549 : vector<1x64x64xbf16> to vector<64x64xbf16>
    %concatenate3A_551 = tpu.concatenate %convert_element_type3A_548, %squeeze3A_550, %broadcast_in_dim3A_15 in 1 : vector<64x512xbf16>, vector<64x64xbf16>, vector<64x1xbf16> -> vector<64x577xbf16>
    %dot_general3A_552 = arith.constant dense<0.000000e+00> : vector<64x2048xf32>
    %dot_general3A_553 = tpu.matmul %concatenate3A_551, %get3A_24, %dot_general3A_552 {dimension_numbers = #tpu.dot_dimension_numbers<[1], [0], [0], [1], [0, 0, 1, 1], [], []>, transpose_lhs_hint = false} : vector<64x577xbf16>, vector<577x2048xbf16>, vector<64x2048xf32> -> vector<64x2048xf32>
    %slice3A_554 = vector.extract_strided_slice %dot_general3A_553 {offsets = [0, 0], sizes = [64, 512], strides = [1, 1]} : vector<64x2048xf32> to vector<64x512xf32>
    %mul3A_555 = arith.constant 5.000000e-01 : f32
    %mul3A_556 = vector.broadcast %mul3A_555 : f32 to vector<64x512xf32>
    %mul3A_557 = arith.mulf %mul3A_556, %slice3A_554 : vector<64x512xf32>
    %tanh3A_558 = math.tanh %mul3A_557 : vector<64x512xf32>
    %mul3A_559 = arith.constant 5.000000e-01 : f32
    %mul3A_560 = vector.broadcast %mul3A_559 : f32 to vector<64x512xf32>
    %mul3A_561 = arith.mulf %mul3A_560, %tanh3A_558 : vector<64x512xf32>
    %add3A_562 = arith.constant 5.000000e-01 : f32
    %add3A_563 = vector.broadcast %add3A_562 : f32 to vector<64x512xf32>
    %add3A_564 = arith.addf %mul3A_561, %add3A_563 : vector<64x512xf32>
    %slice3A_565 = vector.extract_strided_slice %dot_general3A_553 {offsets = [0, 512], sizes = [64, 512], strides = [1, 1]} : vector<64x2048xf32> to vector<64x512xf32>
    %mul3A_566 = arith.constant 5.000000e-01 : f32
    %mul3A_567 = vector.broadcast %mul3A_566 : f32 to vector<64x512xf32>
    %mul3A_568 = arith.mulf %mul3A_567, %slice3A_565 : vector<64x512xf32>
    %tanh3A_569 = math.tanh %mul3A_568 : vector<64x512xf32>
    %mul3A_570 = arith.constant 5.000000e-01 : f32
    %mul3A_571 = vector.broadcast %mul3A_570 : f32 to vector<64x512xf32>
    %mul3A_572 = arith.mulf %mul3A_571, %tanh3A_569 : vector<64x512xf32>
    %add3A_573 = arith.constant 5.000000e-01 : f32
    %add3A_574 = vector.broadcast %add3A_573 : f32 to vector<64x512xf32>
    %add3A_575 = arith.addf %mul3A_572, %add3A_574 : vector<64x512xf32>
    %slice3A_576 = vector.extract_strided_slice %dot_general3A_553 {offsets = [0, 1024], sizes = [64, 512], strides = [1, 1]} : vector<64x2048xf32> to vector<64x512xf32>
    %tanh3A_577 = math.tanh %slice3A_576 : vector<64x512xf32>
    %slice3A_578 = vector.extract_strided_slice %dot_general3A_553 {offsets = [0, 1536], sizes = [64, 512], strides = [1, 1]} : vector<64x2048xf32> to vector<64x512xf32>
    %mul3A_579 = arith.constant 5.000000e-01 : f32
    %mul3A_580 = vector.broadcast %mul3A_579 : f32 to vector<64x512xf32>
    %mul3A_581 = arith.mulf %mul3A_580, %slice3A_578 : vector<64x512xf32>
    %tanh3A_582 = math.tanh %mul3A_581 : vector<64x512xf32>
    %mul3A_583 = arith.constant 5.000000e-01 : f32
    %mul3A_584 = vector.broadcast %mul3A_583 : f32 to vector<64x512xf32>
    %mul3A_585 = arith.mulf %mul3A_584, %tanh3A_582 : vector<64x512xf32>
    %add3A_586 = arith.constant 5.000000e-01 : f32
    %add3A_587 = vector.broadcast %add3A_586 : f32 to vector<64x512xf32>
    %add3A_588 = arith.addf %mul3A_585, %add3A_587 : vector<64x512xf32>
    %mul3A_589 = arith.mulf %add3A_575, %add3A_538 : vector<64x512xf32>
    %mul3A_590 = arith.mulf %add3A_564, %tanh3A_577 : vector<64x512xf32>
    %add3A_591 = arith.addf %mul3A_589, %mul3A_590 : vector<64x512xf32>
    %tanh3A_592 = math.tanh %add3A_591 : vector<64x512xf32>
    %mul3A_593 = arith.mulf %add3A_588, %tanh3A_592 : vector<64x512xf32>
    %convert_element_type3A_594 = arith.truncf %mul3A_593 : vector<64x512xf32> to vector<64x512xbf16>
    %swap3A_595 = arith.constant 10 : index
    %swap3A_596 = arith.constant 0 : index
    %swap3A_597 = arith.constant 0 : index
    %swap3A_598 = vector.load %arg5[%swap3A_595, %swap3A_596, %swap3A_597] : memref<16x64x512xbf16, #tpu.memory_space<vmem>>, vector<1x64x512xbf16>
    %swap3A_599 = vector.shape_cast %swap3A_598 : vector<1x64x512xbf16> to vector<64x512xbf16>
    %swap3A_600 = vector.shape_cast %convert_element_type3A_594 : vector<64x512xbf16> to vector<1x64x512xbf16>
    tpu.vector_store %arg5[%swap3A_595, %swap3A_596, %swap3A_597], %swap3A_600 {strides = array<i32>} : memref<16x64x512xbf16, #tpu.memory_space<vmem>>, vector<1x64x512xbf16>,
    %convert_element_type3A_601 = arith.truncf %mul3A_593 : vector<64x512xf32> to vector<64x512xbf16>
    %slice3A_602 = vector.extract_strided_slice %convert_element_type3A_14 {offsets = [11, 0, 0], sizes = [1, 64, 64], strides = [1, 1, 1]} : vector<16x64x64xbf16> to vector<1x64x64xbf16>
    %squeeze3A_603 = vector.shape_cast %slice3A_602 : vector<1x64x64xbf16> to vector<64x64xbf16>
    %concatenate3A_604 = tpu.concatenate %convert_element_type3A_601, %squeeze3A_603, %broadcast_in_dim3A_15 in 1 : vector<64x512xbf16>, vector<64x64xbf16>, vector<64x1xbf16> -> vector<64x577xbf16>
    %dot_general3A_605 = arith.constant dense<0.000000e+00> : vector<64x2048xf32>
    %dot_general3A_606 = tpu.matmul %concatenate3A_604, %get3A_24, %dot_general3A_605 {dimension_numbers = #tpu.dot_dimension_numbers<[1], [0], [0], [1], [0, 0, 1, 1], [], []>, transpose_lhs_hint = false} : vector<64x577xbf16>, vector<577x2048xbf16>, vector<64x2048xf32> -> vector<64x2048xf32>
    %slice3A_607 = vector.extract_strided_slice %dot_general3A_606 {offsets = [0, 0], sizes = [64, 512], strides = [1, 1]} : vector<64x2048xf32> to vector<64x512xf32>
    %mul3A_608 = arith.constant 5.000000e-01 : f32
    %mul3A_609 = vector.broadcast %mul3A_608 : f32 to vector<64x512xf32>
    %mul3A_610 = arith.mulf %mul3A_609, %slice3A_607 : vector<64x512xf32>
    %tanh3A_611 = math.tanh %mul3A_610 : vector<64x512xf32>
    %mul3A_612 = arith.constant 5.000000e-01 : f32
    %mul3A_613 = vector.broadcast %mul3A_612 : f32 to vector<64x512xf32>
    %mul3A_614 = arith.mulf %mul3A_613, %tanh3A_611 : vector<64x512xf32>
    %add3A_615 = arith.constant 5.000000e-01 : f32
    %add3A_616 = vector.broadcast %add3A_615 : f32 to vector<64x512xf32>
    %add3A_617 = arith.addf %mul3A_614, %add3A_616 : vector<64x512xf32>
    %slice3A_618 = vector.extract_strided_slice %dot_general3A_606 {offsets = [0, 512], sizes = [64, 512], strides = [1, 1]} : vector<64x2048xf32> to vector<64x512xf32>
    %mul3A_619 = arith.constant 5.000000e-01 : f32
    %mul3A_620 = vector.broadcast %mul3A_619 : f32 to vector<64x512xf32>
    %mul3A_621 = arith.mulf %mul3A_620, %slice3A_618 : vector<64x512xf32>
    %tanh3A_622 = math.tanh %mul3A_621 : vector<64x512xf32>
    %mul3A_623 = arith.constant 5.000000e-01 : f32
    %mul3A_624 = vector.broadcast %mul3A_623 : f32 to vector<64x512xf32>
    %mul3A_625 = arith.mulf %mul3A_624, %tanh3A_622 : vector<64x512xf32>
    %add3A_626 = arith.constant 5.000000e-01 : f32
    %add3A_627 = vector.broadcast %add3A_626 : f32 to vector<64x512xf32>
    %add3A_628 = arith.addf %mul3A_625, %add3A_627 : vector<64x512xf32>
    %slice3A_629 = vector.extract_strided_slice %dot_general3A_606 {offsets = [0, 1024], sizes = [64, 512], strides = [1, 1]} : vector<64x2048xf32> to vector<64x512xf32>
    %tanh3A_630 = math.tanh %slice3A_629 : vector<64x512xf32>
    %slice3A_631 = vector.extract_strided_slice %dot_general3A_606 {offsets = [0, 1536], sizes = [64, 512], strides = [1, 1]} : vector<64x2048xf32> to vector<64x512xf32>
    %mul3A_632 = arith.constant 5.000000e-01 : f32
    %mul3A_633 = vector.broadcast %mul3A_632 : f32 to vector<64x512xf32>
    %mul3A_634 = arith.mulf %mul3A_633, %slice3A_631 : vector<64x512xf32>
    %tanh3A_635 = math.tanh %mul3A_634 : vector<64x512xf32>
    %mul3A_636 = arith.constant 5.000000e-01 : f32
    %mul3A_637 = vector.broadcast %mul3A_636 : f32 to vector<64x512xf32>
    %mul3A_638 = arith.mulf %mul3A_637, %tanh3A_635 : vector<64x512xf32>
    %add3A_639 = arith.constant 5.000000e-01 : f32
    %add3A_640 = vector.broadcast %add3A_639 : f32 to vector<64x512xf32>
    %add3A_641 = arith.addf %mul3A_638, %add3A_640 : vector<64x512xf32>
    %mul3A_642 = arith.mulf %add3A_628, %add3A_591 : vector<64x512xf32>
    %mul3A_643 = arith.mulf %add3A_617, %tanh3A_630 : vector<64x512xf32>
    %add3A_644 = arith.addf %mul3A_642, %mul3A_643 : vector<64x512xf32>
    %tanh3A_645 = math.tanh %add3A_644 : vector<64x512xf32>
    %mul3A_646 = arith.mulf %add3A_641, %tanh3A_645 : vector<64x512xf32>
    %convert_element_type3A_647 = arith.truncf %mul3A_646 : vector<64x512xf32> to vector<64x512xbf16>
    %swap3A_648 = arith.constant 11 : index
    %swap3A_649 = arith.constant 0 : index
    %swap3A_650 = arith.constant 0 : index
    %swap3A_651 = vector.load %arg5[%swap3A_648, %swap3A_649, %swap3A_650] : memref<16x64x512xbf16, #tpu.memory_space<vmem>>, vector<1x64x512xbf16>
    %swap3A_652 = vector.shape_cast %swap3A_651 : vector<1x64x512xbf16> to vector<64x512xbf16>
    %swap3A_653 = vector.shape_cast %convert_element_type3A_647 : vector<64x512xbf16> to vector<1x64x512xbf16>
    tpu.vector_store %arg5[%swap3A_648, %swap3A_649, %swap3A_650], %swap3A_653 {strides = array<i32>} : memref<16x64x512xbf16, #tpu.memory_space<vmem>>, vector<1x64x512xbf16>,
    %convert_element_type3A_654 = arith.truncf %mul3A_646 : vector<64x512xf32> to vector<64x512xbf16>
    %slice3A_655 = vector.extract_strided_slice %convert_element_type3A_14 {offsets = [12, 0, 0], sizes = [1, 64, 64], strides = [1, 1, 1]} : vector<16x64x64xbf16> to vector<1x64x64xbf16>
    %squeeze3A_656 = vector.shape_cast %slice3A_655 : vector<1x64x64xbf16> to vector<64x64xbf16>
    %concatenate3A_657 = tpu.concatenate %convert_element_type3A_654, %squeeze3A_656, %broadcast_in_dim3A_15 in 1 : vector<64x512xbf16>, vector<64x64xbf16>, vector<64x1xbf16> -> vector<64x577xbf16>
    %dot_general3A_658 = arith.constant dense<0.000000e+00> : vector<64x2048xf32>
    %dot_general3A_659 = tpu.matmul %concatenate3A_657, %get3A_24, %dot_general3A_658 {dimension_numbers = #tpu.dot_dimension_numbers<[1], [0], [0], [1], [0, 0, 1, 1], [], []>, transpose_lhs_hint = false} : vector<64x577xbf16>, vector<577x2048xbf16>, vector<64x2048xf32> -> vector<64x2048xf32>
    %slice3A_660 = vector.extract_strided_slice %dot_general3A_659 {offsets = [0, 0], sizes = [64, 512], strides = [1, 1]} : vector<64x2048xf32> to vector<64x512xf32>
    %mul3A_661 = arith.constant 5.000000e-01 : f32
    %mul3A_662 = vector.broadcast %mul3A_661 : f32 to vector<64x512xf32>
    %mul3A_663 = arith.mulf %mul3A_662, %slice3A_660 : vector<64x512xf32>
    %tanh3A_664 = math.tanh %mul3A_663 : vector<64x512xf32>
    %mul3A_665 = arith.constant 5.000000e-01 : f32
    %mul3A_666 = vector.broadcast %mul3A_665 : f32 to vector<64x512xf32>
    %mul3A_667 = arith.mulf %mul3A_666, %tanh3A_664 : vector<64x512xf32>
    %add3A_668 = arith.constant 5.000000e-01 : f32
    %add3A_669 = vector.broadcast %add3A_668 : f32 to vector<64x512xf32>
    %add3A_670 = arith.addf %mul3A_667, %add3A_669 : vector<64x512xf32>
    %slice3A_671 = vector.extract_strided_slice %dot_general3A_659 {offsets = [0, 512], sizes = [64, 512], strides = [1, 1]} : vector<64x2048xf32> to vector<64x512xf32>
    %mul3A_672 = arith.constant 5.000000e-01 : f32
    %mul3A_673 = vector.broadcast %mul3A_672 : f32 to vector<64x512xf32>
    %mul3A_674 = arith.mulf %mul3A_673, %slice3A_671 : vector<64x512xf32>
    %tanh3A_675 = math.tanh %mul3A_674 : vector<64x512xf32>
    %mul3A_676 = arith.constant 5.000000e-01 : f32
    %mul3A_677 = vector.broadcast %mul3A_676 : f32 to vector<64x512xf32>
    %mul3A_678 = arith.mulf %mul3A_677, %tanh3A_675 : vector<64x512xf32>
    %add3A_679 = arith.constant 5.000000e-01 : f32
    %add3A_680 = vector.broadcast %add3A_679 : f32 to vector<64x512xf32>
    %add3A_681 = arith.addf %mul3A_678, %add3A_680 : vector<64x512xf32>
    %slice3A_682 = vector.extract_strided_slice %dot_general3A_659 {offsets = [0, 1024], sizes = [64, 512], strides = [1, 1]} : vector<64x2048xf32> to vector<64x512xf32>
    %tanh3A_683 = math.tanh %slice3A_682 : vector<64x512xf32>
    %slice3A_684 = vector.extract_strided_slice %dot_general3A_659 {offsets = [0, 1536], sizes = [64, 512], strides = [1, 1]} : vector<64x2048xf32> to vector<64x512xf32>
    %mul3A_685 = arith.constant 5.000000e-01 : f32
    %mul3A_686 = vector.broadcast %mul3A_685 : f32 to vector<64x512xf32>
    %mul3A_687 = arith.mulf %mul3A_686, %slice3A_684 : vector<64x512xf32>
    %tanh3A_688 = math.tanh %mul3A_687 : vector<64x512xf32>
    %mul3A_689 = arith.constant 5.000000e-01 : f32
    %mul3A_690 = vector.broadcast %mul3A_689 : f32 to vector<64x512xf32>
    %mul3A_691 = arith.mulf %mul3A_690, %tanh3A_688 : vector<64x512xf32>
    %add3A_692 = arith.constant 5.000000e-01 : f32
    %add3A_693 = vector.broadcast %add3A_692 : f32 to vector<64x512xf32>
    %add3A_694 = arith.addf %mul3A_691, %add3A_693 : vector<64x512xf32>
    %mul3A_695 = arith.mulf %add3A_681, %add3A_644 : vector<64x512xf32>
    %mul3A_696 = arith.mulf %add3A_670, %tanh3A_683 : vector<64x512xf32>
    %add3A_697 = arith.addf %mul3A_695, %mul3A_696 : vector<64x512xf32>
    %tanh3A_698 = math.tanh %add3A_697 : vector<64x512xf32>
    %mul3A_699 = arith.mulf %add3A_694, %tanh3A_698 : vector<64x512xf32>
    %convert_element_type3A_700 = arith.truncf %mul3A_699 : vector<64x512xf32> to vector<64x512xbf16>
    %swap3A_701 = arith.constant 12 : index
    %swap3A_702 = arith.constant 0 : index
    %swap3A_703 = arith.constant 0 : index
    %swap3A_704 = vector.load %arg5[%swap3A_701, %swap3A_702, %swap3A_703] : memref<16x64x512xbf16, #tpu.memory_space<vmem>>, vector<1x64x512xbf16>
    %swap3A_705 = vector.shape_cast %swap3A_704 : vector<1x64x512xbf16> to vector<64x512xbf16>
    %swap3A_706 = vector.shape_cast %convert_element_type3A_700 : vector<64x512xbf16> to vector<1x64x512xbf16>
    tpu.vector_store %arg5[%swap3A_701, %swap3A_702, %swap3A_703], %swap3A_706 {strides = array<i32>} : memref<16x64x512xbf16, #tpu.memory_space<vmem>>, vector<1x64x512xbf16>,
    %convert_element_type3A_707 = arith.truncf %mul3A_699 : vector<64x512xf32> to vector<64x512xbf16>
    %slice3A_708 = vector.extract_strided_slice %convert_element_type3A_14 {offsets = [13, 0, 0], sizes = [1, 64, 64], strides = [1, 1, 1]} : vector<16x64x64xbf16> to vector<1x64x64xbf16>
    %squeeze3A_709 = vector.shape_cast %slice3A_708 : vector<1x64x64xbf16> to vector<64x64xbf16>
    %concatenate3A_710 = tpu.concatenate %convert_element_type3A_707, %squeeze3A_709, %broadcast_in_dim3A_15 in 1 : vector<64x512xbf16>, vector<64x64xbf16>, vector<64x1xbf16> -> vector<64x577xbf16>
    %dot_general3A_711 = arith.constant dense<0.000000e+00> : vector<64x2048xf32>
    %dot_general3A_712 = tpu.matmul %concatenate3A_710, %get3A_24, %dot_general3A_711 {dimension_numbers = #tpu.dot_dimension_numbers<[1], [0], [0], [1], [0, 0, 1, 1], [], []>, transpose_lhs_hint = false} : vector<64x577xbf16>, vector<577x2048xbf16>, vector<64x2048xf32> -> vector<64x2048xf32>
    %slice3A_713 = vector.extract_strided_slice %dot_general3A_712 {offsets = [0, 0], sizes = [64, 512], strides = [1, 1]} : vector<64x2048xf32> to vector<64x512xf32>
    %mul3A_714 = arith.constant 5.000000e-01 : f32
    %mul3A_715 = vector.broadcast %mul3A_714 : f32 to vector<64x512xf32>
    %mul3A_716 = arith.mulf %mul3A_715, %slice3A_713 : vector<64x512xf32>
    %tanh3A_717 = math.tanh %mul3A_716 : vector<64x512xf32>
    %mul3A_718 = arith.constant 5.000000e-01 : f32
    %mul3A_719 = vector.broadcast %mul3A_718 : f32 to vector<64x512xf32>
    %mul3A_720 = arith.mulf %mul3A_719, %tanh3A_717 : vector<64x512xf32>
    %add3A_721 = arith.constant 5.000000e-01 : f32
    %add3A_722 = vector.broadcast %add3A_721 : f32 to vector<64x512xf32>
    %add3A_723 = arith.addf %mul3A_720, %add3A_722 : vector<64x512xf32>
    %slice3A_724 = vector.extract_strided_slice %dot_general3A_712 {offsets = [0, 512], sizes = [64, 512], strides = [1, 1]} : vector<64x2048xf32> to vector<64x512xf32>
    %mul3A_725 = arith.constant 5.000000e-01 : f32
    %mul3A_726 = vector.broadcast %mul3A_725 : f32 to vector<64x512xf32>
    %mul3A_727 = arith.mulf %mul3A_726, %slice3A_724 : vector<64x512xf32>
    %tanh3A_728 = math.tanh %mul3A_727 : vector<64x512xf32>
    %mul3A_729 = arith.constant 5.000000e-01 : f32
    %mul3A_730 = vector.broadcast %mul3A_729 : f32 to vector<64x512xf32>
    %mul3A_731 = arith.mulf %mul3A_730, %tanh3A_728 : vector<64x512xf32>
    %add3A_732 = arith.constant 5.000000e-01 : f32
    %add3A_733 = vector.broadcast %add3A_732 : f32 to vector<64x512xf32>
    %add3A_734 = arith.addf %mul3A_731, %add3A_733 : vector<64x512xf32>
    %slice3A_735 = vector.extract_strided_slice %dot_general3A_712 {offsets = [0, 1024], sizes = [64, 512], strides = [1, 1]} : vector<64x2048xf32> to vector<64x512xf32>
    %tanh3A_736 = math.tanh %slice3A_735 : vector<64x512xf32>
    %slice3A_737 = vector.extract_strided_slice %dot_general3A_712 {offsets = [0, 1536], sizes = [64, 512], strides = [1, 1]} : vector<64x2048xf32> to vector<64x512xf32>
    %mul3A_738 = arith.constant 5.000000e-01 : f32
    %mul3A_739 = vector.broadcast %mul3A_738 : f32 to vector<64x512xf32>
    %mul3A_740 = arith.mulf %mul3A_739, %slice3A_737 : vector<64x512xf32>
    %tanh3A_741 = math.tanh %mul3A_740 : vector<64x512xf32>
    %mul3A_742 = arith.constant 5.000000e-01 : f32
    %mul3A_743 = vector.broadcast %mul3A_742 : f32 to vector<64x512xf32>
    %mul3A_744 = arith.mulf %mul3A_743, %tanh3A_741 : vector<64x512xf32>
    %add3A_745 = arith.constant 5.000000e-01 : f32
    %add3A_746 = vector.broadcast %add3A_745 : f32 to vector<64x512xf32>
    %add3A_747 = arith.addf %mul3A_744, %add3A_746 : vector<64x512xf32>
    %mul3A_748 = arith.mulf %add3A_734, %add3A_697 : vector<64x512xf32>
    %mul3A_749 = arith.mulf %add3A_723, %tanh3A_736 : vector<64x512xf32>
    %add3A_750 = arith.addf %mul3A_748, %mul3A_749 : vector<64x512xf32>
    %tanh3A_751 = math.tanh %add3A_750 : vector<64x512xf32>
    %mul3A_752 = arith.mulf %add3A_747, %tanh3A_751 : vector<64x512xf32>
    %convert_element_type3A_753 = arith.truncf %mul3A_752 : vector<64x512xf32> to vector<64x512xbf16>
    %swap3A_754 = arith.constant 13 : index
    %swap3A_755 = arith.constant 0 : index
    %swap3A_756 = arith.constant 0 : index
    %swap3A_757 = vector.load %arg5[%swap3A_754, %swap3A_755, %swap3A_756] : memref<16x64x512xbf16, #tpu.memory_space<vmem>>, vector<1x64x512xbf16>
    %swap3A_758 = vector.shape_cast %swap3A_757 : vector<1x64x512xbf16> to vector<64x512xbf16>
    %swap3A_759 = vector.shape_cast %convert_element_type3A_753 : vector<64x512xbf16> to vector<1x64x512xbf16>
    tpu.vector_store %arg5[%swap3A_754, %swap3A_755, %swap3A_756], %swap3A_759 {strides = array<i32>} : memref<16x64x512xbf16, #tpu.memory_space<vmem>>, vector<1x64x512xbf16>,
    %convert_element_type3A_760 = arith.truncf %mul3A_752 : vector<64x512xf32> to vector<64x512xbf16>
    %slice3A_761 = vector.extract_strided_slice %convert_element_type3A_14 {offsets = [14, 0, 0], sizes = [1, 64, 64], strides = [1, 1, 1]} : vector<16x64x64xbf16> to vector<1x64x64xbf16>
    %squeeze3A_762 = vector.shape_cast %slice3A_761 : vector<1x64x64xbf16> to vector<64x64xbf16>
    %concatenate3A_763 = tpu.concatenate %convert_element_type3A_760, %squeeze3A_762, %broadcast_in_dim3A_15 in 1 : vector<64x512xbf16>, vector<64x64xbf16>, vector<64x1xbf16> -> vector<64x577xbf16>
    %dot_general3A_764 = arith.constant dense<0.000000e+00> : vector<64x2048xf32>
    %dot_general3A_765 = tpu.matmul %concatenate3A_763, %get3A_24, %dot_general3A_764 {dimension_numbers = #tpu.dot_dimension_numbers<[1], [0], [0], [1], [0, 0, 1, 1], [], []>, transpose_lhs_hint = false} : vector<64x577xbf16>, vector<577x2048xbf16>, vector<64x2048xf32> -> vector<64x2048xf32>
    %slice3A_766 = vector.extract_strided_slice %dot_general3A_765 {offsets = [0, 0], sizes = [64, 512], strides = [1, 1]} : vector<64x2048xf32> to vector<64x512xf32>
    %mul3A_767 = arith.constant 5.000000e-01 : f32
    %mul3A_768 = vector.broadcast %mul3A_767 : f32 to vector<64x512xf32>
    %mul3A_769 = arith.mulf %mul3A_768, %slice3A_766 : vector<64x512xf32>
    %tanh3A_770 = math.tanh %mul3A_769 : vector<64x512xf32>
    %mul3A_771 = arith.constant 5.000000e-01 : f32
    %mul3A_772 = vector.broadcast %mul3A_771 : f32 to vector<64x512xf32>
    %mul3A_773 = arith.mulf %mul3A_772, %tanh3A_770 : vector<64x512xf32>
    %add3A_774 = arith.constant 5.000000e-01 : f32
    %add3A_775 = vector.broadcast %add3A_774 : f32 to vector<64x512xf32>
    %add3A_776 = arith.addf %mul3A_773, %add3A_775 : vector<64x512xf32>
    %slice3A_777 = vector.extract_strided_slice %dot_general3A_765 {offsets = [0, 512], sizes = [64, 512], strides = [1, 1]} : vector<64x2048xf32> to vector<64x512xf32>
    %mul3A_778 = arith.constant 5.000000e-01 : f32
    %mul3A_779 = vector.broadcast %mul3A_778 : f32 to vector<64x512xf32>
    %mul3A_780 = arith.mulf %mul3A_779, %slice3A_777 : vector<64x512xf32>
    %tanh3A_781 = math.tanh %mul3A_780 : vector<64x512xf32>
    %mul3A_782 = arith.constant 5.000000e-01 : f32
    %mul3A_783 = vector.broadcast %mul3A_782 : f32 to vector<64x512xf32>
    %mul3A_784 = arith.mulf %mul3A_783, %tanh3A_781 : vector<64x512xf32>
    %add3A_785 = arith.constant 5.000000e-01 : f32
    %add3A_786 = vector.broadcast %add3A_785 : f32 to vector<64x512xf32>
    %add3A_787 = arith.addf %mul3A_784, %add3A_786 : vector<64x512xf32>
    %slice3A_788 = vector.extract_strided_slice %dot_general3A_765 {offsets = [0, 1024], sizes = [64, 512], strides = [1, 1]} : vector<64x2048xf32> to vector<64x512xf32>
    %tanh3A_789 = math.tanh %slice3A_788 : vector<64x512xf32>
    %slice3A_790 = vector.extract_strided_slice %dot_general3A_765 {offsets = [0, 1536], sizes = [64, 512], strides = [1, 1]} : vector<64x2048xf32> to vector<64x512xf32>
    %mul3A_791 = arith.constant 5.000000e-01 : f32
    %mul3A_792 = vector.broadcast %mul3A_791 : f32 to vector<64x512xf32>
    %mul3A_793 = arith.mulf %mul3A_792, %slice3A_790 : vector<64x512xf32>
    %tanh3A_794 = math.tanh %mul3A_793 : vector<64x512xf32>
    %mul3A_795 = arith.constant 5.000000e-01 : f32
    %mul3A_796 = vector.broadcast %mul3A_795 : f32 to vector<64x512xf32>
    %mul3A_797 = arith.mulf %mul3A_796, %tanh3A_794 : vector<64x512xf32>
    %add3A_798 = arith.constant 5.000000e-01 : f32
    %add3A_799 = vector.broadcast %add3A_798 : f32 to vector<64x512xf32>
    %add3A_800 = arith.addf %mul3A_797, %add3A_799 : vector<64x512xf32>
    %mul3A_801 = arith.mulf %add3A_787, %add3A_750 : vector<64x512xf32>
    %mul3A_802 = arith.mulf %add3A_776, %tanh3A_789 : vector<64x512xf32>
    %add3A_803 = arith.addf %mul3A_801, %mul3A_802 : vector<64x512xf32>
    %tanh3A_804 = math.tanh %add3A_803 : vector<64x512xf32>
    %mul3A_805 = arith.mulf %add3A_800, %tanh3A_804 : vector<64x512xf32>
    %convert_element_type3A_806 = arith.truncf %mul3A_805 : vector<64x512xf32> to vector<64x512xbf16>
    %swap3A_807 = arith.constant 14 : index
    %swap3A_808 = arith.constant 0 : index
    %swap3A_809 = arith.constant 0 : index
    %swap3A_810 = vector.load %arg5[%swap3A_807, %swap3A_808, %swap3A_809] : memref<16x64x512xbf16, #tpu.memory_space<vmem>>, vector<1x64x512xbf16>
    %swap3A_811 = vector.shape_cast %swap3A_810 : vector<1x64x512xbf16> to vector<64x512xbf16>
    %swap3A_812 = vector.shape_cast %convert_element_type3A_806 : vector<64x512xbf16> to vector<1x64x512xbf16>
    tpu.vector_store %arg5[%swap3A_807, %swap3A_808, %swap3A_809], %swap3A_812 {strides = array<i32>} : memref<16x64x512xbf16, #tpu.memory_space<vmem>>, vector<1x64x512xbf16>,
    %convert_element_type3A_813 = arith.truncf %mul3A_805 : vector<64x512xf32> to vector<64x512xbf16>
    %slice3A_814 = vector.extract_strided_slice %convert_element_type3A_14 {offsets = [15, 0, 0], sizes = [1, 64, 64], strides = [1, 1, 1]} : vector<16x64x64xbf16> to vector<1x64x64xbf16>
    %squeeze3A_815 = vector.shape_cast %slice3A_814 : vector<1x64x64xbf16> to vector<64x64xbf16>
    %concatenate3A_816 = tpu.concatenate %convert_element_type3A_813, %squeeze3A_815, %broadcast_in_dim3A_15 in 1 : vector<64x512xbf16>, vector<64x64xbf16>, vector<64x1xbf16> -> vector<64x577xbf16>
    %dot_general3A_817 = arith.constant dense<0.000000e+00> : vector<64x2048xf32>
    %dot_general3A_818 = tpu.matmul %concatenate3A_816, %get3A_24, %dot_general3A_817 {dimension_numbers = #tpu.dot_dimension_numbers<[1], [0], [0], [1], [0, 0, 1, 1], [], []>, transpose_lhs_hint = false} : vector<64x577xbf16>, vector<577x2048xbf16>, vector<64x2048xf32> -> vector<64x2048xf32>
    %slice3A_819 = vector.extract_strided_slice %dot_general3A_818 {offsets = [0, 0], sizes = [64, 512], strides = [1, 1]} : vector<64x2048xf32> to vector<64x512xf32>
    %mul3A_820 = arith.constant 5.000000e-01 : f32
    %mul3A_821 = vector.broadcast %mul3A_820 : f32 to vector<64x512xf32>
    %mul3A_822 = arith.mulf %mul3A_821, %slice3A_819 : vector<64x512xf32>
    %tanh3A_823 = math.tanh %mul3A_822 : vector<64x512xf32>
    %mul3A_824 = arith.constant 5.000000e-01 : f32
    %mul3A_825 = vector.broadcast %mul3A_824 : f32 to vector<64x512xf32>
    %mul3A_826 = arith.mulf %mul3A_825, %tanh3A_823 : vector<64x512xf32>
    %add3A_827 = arith.constant 5.000000e-01 : f32
    %add3A_828 = vector.broadcast %add3A_827 : f32 to vector<64x512xf32>
    %add3A_829 = arith.addf %mul3A_826, %add3A_828 : vector<64x512xf32>
    %slice3A_830 = vector.extract_strided_slice %dot_general3A_818 {offsets = [0, 512], sizes = [64, 512], strides = [1, 1]} : vector<64x2048xf32> to vector<64x512xf32>
    %mul3A_831 = arith.constant 5.000000e-01 : f32
    %mul3A_832 = vector.broadcast %mul3A_831 : f32 to vector<64x512xf32>
    %mul3A_833 = arith.mulf %mul3A_832, %slice3A_830 : vector<64x512xf32>
    %tanh3A_834 = math.tanh %mul3A_833 : vector<64x512xf32>
    %mul3A_835 = arith.constant 5.000000e-01 : f32
    %mul3A_836 = vector.broadcast %mul3A_835 : f32 to vector<64x512xf32>
    %mul3A_837 = arith.mulf %mul3A_836, %tanh3A_834 : vector<64x512xf32>
    %add3A_838 = arith.constant 5.000000e-01 : f32
    %add3A_839 = vector.broadcast %add3A_838 : f32 to vector<64x512xf32>
    %add3A_840 = arith.addf %mul3A_837, %add3A_839 : vector<64x512xf32>
    %slice3A_841 = vector.extract_strided_slice %dot_general3A_818 {offsets = [0, 1024], sizes = [64, 512], strides = [1, 1]} : vector<64x2048xf32> to vector<64x512xf32>
    %tanh3A_842 = math.tanh %slice3A_841 : vector<64x512xf32>
    %slice3A_843 = vector.extract_strided_slice %dot_general3A_818 {offsets = [0, 1536], sizes = [64, 512], strides = [1, 1]} : vector<64x2048xf32> to vector<64x512xf32>
    %mul3A_844 = arith.constant 5.000000e-01 : f32
    %mul3A_845 = vector.broadcast %mul3A_844 : f32 to vector<64x512xf32>
    %mul3A_846 = arith.mulf %mul3A_845, %slice3A_843 : vector<64x512xf32>
    %tanh3A_847 = math.tanh %mul3A_846 : vector<64x512xf32>
    %mul3A_848 = arith.constant 5.000000e-01 : f32
    %mul3A_849 = vector.broadcast %mul3A_848 : f32 to vector<64x512xf32>
    %mul3A_850 = arith.mulf %mul3A_849, %tanh3A_847 : vector<64x512xf32>
    %add3A_851 = arith.constant 5.000000e-01 : f32
    %add3A_852 = vector.broadcast %add3A_851 : f32 to vector<64x512xf32>
    %add3A_853 = arith.addf %mul3A_850, %add3A_852 : vector<64x512xf32>
    %mul3A_854 = arith.mulf %add3A_840, %add3A_803 : vector<64x512xf32>
    %mul3A_855 = arith.mulf %add3A_829, %tanh3A_842 : vector<64x512xf32>
    %add3A_856 = arith.addf %mul3A_854, %mul3A_855 : vector<64x512xf32>
    %tanh3A_857 = math.tanh %add3A_856 : vector<64x512xf32>
    %mul3A_858 = arith.mulf %add3A_853, %tanh3A_857 : vector<64x512xf32>
    %convert_element_type3A_859 = arith.truncf %mul3A_858 : vector<64x512xf32> to vector<64x512xbf16>
    %swap3A_860 = arith.constant 15 : index
    %swap3A_861 = arith.constant 0 : index
    %swap3A_862 = arith.constant 0 : index
    %swap3A_863 = vector.load %arg5[%swap3A_860, %swap3A_861, %swap3A_862] : memref<16x64x512xbf16, #tpu.memory_space<vmem>>, vector<1x64x512xbf16>
    %swap3A_864 = vector.shape_cast %swap3A_863 : vector<1x64x512xbf16> to vector<64x512xbf16>
    %swap3A_865 = vector.shape_cast %convert_element_type3A_859 : vector<64x512xbf16> to vector<1x64x512xbf16>
    tpu.vector_store %arg5[%swap3A_860, %swap3A_861, %swap3A_862], %swap3A_865 {strides = array<i32>} : memref<16x64x512xbf16, #tpu.memory_space<vmem>>, vector<1x64x512xbf16>,
    %swap3A_866 = arith.constant 0 : index
    %swap3A_867 = arith.constant 0 : index
    %swap3A_868 = vector.load %arg9[%swap3A_866, %swap3A_867] : memref<64x512xf32, #tpu.memory_space<vmem>>, vector<64x512xf32>
    tpu.vector_store %arg9[%swap3A_866, %swap3A_867], %add3A_856 {strides = array<i32>} : memref<64x512xf32, #tpu.memory_space<vmem>>, vector<64x512xf32>,
    %swap3A_869 = arith.constant 0 : index
    %swap3A_870 = arith.constant 0 : index
    %swap3A_871 = vector.load %arg8[%swap3A_869, %swap3A_870] : memref<64x512xf32, #tpu.memory_space<vmem>>, vector<64x512xf32>
    tpu.vector_store %arg8[%swap3A_869, %swap3A_870], %mul3A_858 {strides = array<i32>} : memref<64x512xf32, #tpu.memory_space<vmem>>, vector<64x512xf32>,
    %eq3A_872 = arith.constant 15 : i32
    %eq3A_873 = arith.cmpi eq, %arg0, %eq3A_872 : i32
    %convert_element_type3A_874 = arith.extui %eq3A_873 : i1 to i32
    %cond3A_875 = arith.constant 0 : i32
    %cond3A_876 = arith.cmpi ne, %convert_element_type3A_874, %cond3A_875 : i32
    scf.if %cond3A_876 {
      %broadcast_in_dim3A_877 = vector.shape_cast %mul3A_858 : vector<64x512xf32> to vector<1x64x512xf32>
      %swap3A_878 = arith.constant 0 : index
      %swap3A_879 = arith.constant 0 : index
      %swap3A_880 = arith.constant 0 : index
      %swap3A_881 = vector.load %arg6[%swap3A_878, %swap3A_879, %swap3A_880] : memref<1x64x512xf32, #tpu.memory_space<vmem>>, vector<1x64x512xf32>
      tpu.vector_store %arg6[%swap3A_878, %swap3A_879, %swap3A_880], %broadcast_in_dim3A_877 {strides = array<i32>} : memref<1x64x512xf32, #tpu.memory_space<vmem>>, vector<1x64x512xf32>,
      %broadcast_in_dim3A_882 = vector.shape_cast %add3A_856 : vector<64x512xf32> to vector<1x64x512xf32>
      %swap3A_883 = arith.constant 0 : index
      %swap3A_884 = arith.constant 0 : index
      %swap3A_885 = arith.constant 0 : index
      %swap3A_886 = vector.load %arg7[%swap3A_883, %swap3A_884, %swap3A_885] : memref<1x64x512xf32, #tpu.memory_space<vmem>>, vector<1x64x512xf32>
      tpu.vector_store %arg7[%swap3A_883, %swap3A_884, %swap3A_885], %broadcast_in_dim3A_882 {strides = array<i32>} : memref<1x64x512xf32, #tpu.memory_space<vmem>>, vector<1x64x512xf32>,
    } else {
    }
    return
  }
  func.func @transform_0(%arg0: i32) -> (i32, i32, i32) {
    %c0_i32 = arith.constant 0 : i32
    %c0_i32_0 = arith.constant 0 : i32
    %c0_i32_1 = arith.constant 0 : i32
    return %arg0, %c0_i32, %c0_i32_0 : i32, i32, i32
  }
  func.func @transform_1(%arg0: i32) -> (i32, i32, i32) {
    %c0_i32 = arith.constant 0 : i32
    %c0_i32_0 = arith.constant 0 : i32
    %c0_i32_1 = arith.constant 0 : i32
    return %arg0, %c0_i32, %c0_i32_0 : i32, i32, i32
  }
  func.func @transform_2(%arg0: i32) -> (i32, i32, i32) {
    %c0_i32 = arith.constant 0 : i32
    %c0_i32_0 = arith.constant 0 : i32
    %c0_i32_1 = arith.constant 0 : i32
    return %arg0, %c0_i32, %c0_i32_0 : i32, i32, i32
  }
  func.func @transform_3(%arg0: i32) -> (i32, i32) {
    %c0_i32 = arith.constant 0 : i32
    %c0_i32_0 = arith.constant 0 : i32
    %c0_i32_1 = arith.constant 0 : i32
    return %c0_i32, %c0_i32_0 : i32, i32
  }
  func.func @transform_4(%arg0: i32) -> (i32, i32, i32) {
    %c0_i32 = arith.constant 0 : i32
    %c0_i32_0 = arith.constant 0 : i32
    %c0_i32_1 = arith.constant 0 : i32
    return %arg0, %c0_i32, %c0_i32_0 : i32, i32, i32
  }
  func.func @transform_5(%arg0: i32) -> (i32, i32, i32) {
    %c0_i32 = arith.constant 0 : i32
    %c0_i32_0 = arith.constant 0 : i32
    %c0_i32_1 = arith.constant 0 : i32
    %c0_i32_2 = arith.constant 0 : i32
    return %c0_i32, %c0_i32_0, %c0_i32_1 : i32, i32, i32
  }
  func.func @transform_6(%arg0: i32) -> (i32, i32, i32) {
    %c0_i32 = arith.constant 0 : i32
    %c0_i32_0 = arith.constant 0 : i32
    %c0_i32_1 = arith.constant 0 : i32
    %c0_i32_2 = arith.constant 0 : i32
    return %c0_i32, %c0_i32_0, %c0_i32_1 : i32, i32, i32
  }
}

module attributes {stable_mosaic.version = 14 : i64} {
  func.func @_dec_body(%arg0: i32, %arg1: memref<2048x512xbf16, #tpu.memory_space<vmem>>, %arg2: memref<512x768xbf16, #tpu.memory_space<vmem>>, %arg3: memref<1x768xf32, #tpu.memory_space<vmem>>, %arg4: memref<64x32x512xf32, #tpu.memory_space<vmem>>, %arg5: memref<64x32x128xf32, #tpu.memory_space<vmem>>, %arg6: memref<64x32x128xf32, #tpu.memory_space<vmem>>) attributes {dimension_semantics = [#tpu.dimension_semantics<arbitrary>], iteration_bounds = array<i64: 8>, scalar_prefetch = 0 : i64, scratch_operands = 0 : i64, tpu.core_type = #tpu.core_type<tc>, window_params = [{transform_indices = @transform_0, window_bounds = array<i64: 2048, 512>}, {pipeline_mode = #tpu.pipeline_mode<synchronous>, transform_indices = @transform_1, window_bounds = array<i64: 512, 768>}, {pipeline_mode = #tpu.pipeline_mode<synchronous>, transform_indices = @transform_2, window_bounds = array<i64: 1, 768>}, {transform_indices = @transform_3, window_bounds = array<i64: 64, 32, 512>}, {transform_indices = @transform_4, window_bounds = array<i64: 64, 32, 128>}, {transform_indices = @transform_5, window_bounds = array<i64: 64, 32, 128>}]} {
    %get3A = arith.constant 0 : index
    %get3A_0 = arith.constant 0 : index
    %get3A_1 = vector.load %arg1[%get3A, %get3A_0] : memref<2048x512xbf16, #tpu.memory_space<vmem>>, vector<2048x512xbf16>
    %get3A_2 = arith.constant 0 : index
    %get3A_3 = arith.constant 0 : index
    %get3A_4 = vector.load %arg2[%get3A_2, %get3A_3] : memref<512x768xbf16, #tpu.memory_space<vmem>>, vector<512x768xbf16>
    %dot_general3A = arith.constant dense<0.000000e+00> : vector<2048x768xf32>
    %dot_general3A_5 = tpu.matmul %get3A_1, %get3A_4, %dot_general3A {dimension_numbers = #tpu.dot_dimension_numbers<[1], [0], [0], [1], [0, 0, 1, 1], [], []>, transpose_lhs_hint = false} : vector<2048x512xbf16>, vector<512x768xbf16>, vector<2048x768xf32> -> vector<2048x768xf32>
    %get3A_6 = arith.constant 0 : index
    %get3A_7 = arith.constant 0 : index
    %get3A_8 = vector.load %arg3[%get3A_6, %get3A_7] : memref<1x768xf32, #tpu.memory_space<vmem>>, vector<1x768xf32>
    %add3A = vector.broadcast %get3A_8 : vector<1x768xf32> to vector<2048x768xf32>
    %add3A_9 = arith.addf %dot_general3A_5, %add3A : vector<2048x768xf32>
    %slice3A = vector.extract_strided_slice %add3A_9 {offsets = [0, 0], sizes = [2048, 512], strides = [1, 1]} : vector<2048x768xf32> to vector<2048x512xf32>
    %exp3A = math.exp %slice3A : vector<2048x512xf32>
    %reduce_sum3A = arith.constant dense<0.000000e+00> : vector<2048xf32>
    %reduce_sum3A_10 = vector.multi_reduction <add>, %exp3A, %reduce_sum3A [1] : vector<2048x512xf32> to vector<2048xf32>
    %broadcast_in_dim3A = vector.shape_cast %reduce_sum3A_10 : vector<2048xf32> to vector<2048x1xf32>
    %log3A = math.log %broadcast_in_dim3A : vector<2048x1xf32>
    %sub3A = vector.broadcast %log3A : vector<2048x1xf32> to vector<2048x512xf32>
    %sub3A_11 = arith.subf %slice3A, %sub3A : vector<2048x512xf32>
    %reshape3A = vector.shape_cast %sub3A_11 : vector<2048x512xf32> to vector<32x64x512xf32>
    %transpose3A = tpu.transpose %reshape3A, [1, 0, 2] : vector<32x64x512xf32> -> vector<64x32x512xf32>
    %swap3A = arith.constant 0 : index
    %swap3A_12 = arith.constant 0 : index
    %swap3A_13 = arith.constant 0 : index
    %swap3A_14 = vector.load %arg4[%swap3A, %swap3A_12, %swap3A_13] : memref<64x32x512xf32, #tpu.memory_space<vmem>>, vector<64x32x512xf32>
    tpu.vector_store %arg4[%swap3A, %swap3A_12, %swap3A_13], %transpose3A {strides = array<i32>} : memref<64x32x512xf32, #tpu.memory_space<vmem>>, vector<64x32x512xf32>,
    %slice3A_15 = vector.extract_strided_slice %add3A_9 {offsets = [0, 512], sizes = [2048, 128], strides = [1, 1]} : vector<2048x768xf32> to vector<2048x128xf32>
    %exp3A_16 = math.exp %slice3A_15 : vector<2048x128xf32>
    %reduce_sum3A_17 = arith.constant dense<0.000000e+00> : vector<2048xf32>
    %reduce_sum3A_18 = vector.multi_reduction <add>, %exp3A_16, %reduce_sum3A_17 [1] : vector<2048x128xf32> to vector<2048xf32>
    %broadcast_in_dim3A_19 = vector.shape_cast %reduce_sum3A_18 : vector<2048xf32> to vector<2048x1xf32>
    %log3A_20 = math.log %broadcast_in_dim3A_19 : vector<2048x1xf32>
    %sub3A_21 = vector.broadcast %log3A_20 : vector<2048x1xf32> to vector<2048x128xf32>
    %sub3A_22 = arith.subf %slice3A_15, %sub3A_21 : vector<2048x128xf32>
    %reshape3A_23 = vector.shape_cast %sub3A_22 : vector<2048x128xf32> to vector<32x64x128xf32>
    %transpose3A_24 = tpu.transpose %reshape3A_23, [1, 0, 2] : vector<32x64x128xf32> -> vector<64x32x128xf32>
    %swap3A_25 = arith.constant 0 : index
    %swap3A_26 = arith.constant 0 : index
    %swap3A_27 = arith.constant 0 : index
    %swap3A_28 = vector.load %arg5[%swap3A_25, %swap3A_26, %swap3A_27] : memref<64x32x128xf32, #tpu.memory_space<vmem>>, vector<64x32x128xf32>
    tpu.vector_store %arg5[%swap3A_25, %swap3A_26, %swap3A_27], %transpose3A_24 {strides = array<i32>} : memref<64x32x128xf32, #tpu.memory_space<vmem>>, vector<64x32x128xf32>,
    %slice3A_29 = vector.extract_strided_slice %add3A_9 {offsets = [0, 640], sizes = [2048, 128], strides = [1, 1]} : vector<2048x768xf32> to vector<2048x128xf32>
    %exp3A_30 = math.exp %slice3A_29 : vector<2048x128xf32>
    %reduce_sum3A_31 = arith.constant dense<0.000000e+00> : vector<2048xf32>
    %reduce_sum3A_32 = vector.multi_reduction <add>, %exp3A_30, %reduce_sum3A_31 [1] : vector<2048x128xf32> to vector<2048xf32>
    %broadcast_in_dim3A_33 = vector.shape_cast %reduce_sum3A_32 : vector<2048xf32> to vector<2048x1xf32>
    %log3A_34 = math.log %broadcast_in_dim3A_33 : vector<2048x1xf32>
    %sub3A_35 = vector.broadcast %log3A_34 : vector<2048x1xf32> to vector<2048x128xf32>
    %sub3A_36 = arith.subf %slice3A_29, %sub3A_35 : vector<2048x128xf32>
    %reshape3A_37 = vector.shape_cast %sub3A_36 : vector<2048x128xf32> to vector<32x64x128xf32>
    %transpose3A_38 = tpu.transpose %reshape3A_37, [1, 0, 2] : vector<32x64x128xf32> -> vector<64x32x128xf32>
    %swap3A_39 = arith.constant 0 : index
    %swap3A_40 = arith.constant 0 : index
    %swap3A_41 = arith.constant 0 : index
    %swap3A_42 = vector.load %arg6[%swap3A_39, %swap3A_40, %swap3A_41] : memref<64x32x128xf32, #tpu.memory_space<vmem>>, vector<64x32x128xf32>
    tpu.vector_store %arg6[%swap3A_39, %swap3A_40, %swap3A_41], %transpose3A_38 {strides = array<i32>} : memref<64x32x128xf32, #tpu.memory_space<vmem>>, vector<64x32x128xf32>,
    return
  }
  func.func @transform_0(%arg0: i32) -> (i32, i32) {
    %c0_i32 = arith.constant 0 : i32
    %c0_i32_0 = arith.constant 0 : i32
    return %arg0, %c0_i32 : i32, i32
  }
  func.func @transform_1(%arg0: i32) -> (i32, i32) {
    %c0_i32 = arith.constant 0 : i32
    %c0_i32_0 = arith.constant 0 : i32
    %c0_i32_1 = arith.constant 0 : i32
    return %c0_i32, %c0_i32_0 : i32, i32
  }
  func.func @transform_2(%arg0: i32) -> (i32, i32) {
    %c0_i32 = arith.constant 0 : i32
    %c0_i32_0 = arith.constant 0 : i32
    %c0_i32_1 = arith.constant 0 : i32
    return %c0_i32, %c0_i32_0 : i32, i32
  }
  func.func @transform_3(%arg0: i32) -> (i32, i32, i32) {
    %c0_i32 = arith.constant 0 : i32
    %c0_i32_0 = arith.constant 0 : i32
    %c0_i32_1 = arith.constant 0 : i32
    return %c0_i32, %arg0, %c0_i32_0 : i32, i32, i32
  }
  func.func @transform_4(%arg0: i32) -> (i32, i32, i32) {
    %c0_i32 = arith.constant 0 : i32
    %c0_i32_0 = arith.constant 0 : i32
    %c0_i32_1 = arith.constant 0 : i32
    return %c0_i32, %arg0, %c0_i32_0 : i32, i32, i32
  }
  func.func @transform_5(%arg0: i32) -> (i32, i32, i32) {
    %c0_i32 = arith.constant 0 : i32
    %c0_i32_0 = arith.constant 0 : i32
    %c0_i32_1 = arith.constant 0 : i32
    return %c0_i32, %arg0, %c0_i32_0 : i32, i32, i32
  }
}

</mosaic_0001>

<sc_bundles>
// kernel: kernel.5.cloned.1.call-start
scs
__scs_entry_jumppad:
0x0: {  	(pc) =	sbr.rel $0x88, $3  }
0x1: {  	(tag) =	ssettag $0x0;
	lr =	simm.s32 $0x1  }
0x2: {  	[smem:$0x3F91] =	sst lr;
	_ =	strace $0xD0000000  }
0x3: {  	_ = 	snop  }
0x4: {  	_ = 	snop  }
0x5: {  	_ = 	snop  }
0x6: {  	_ = 	snop  }
0x7: {  	_ = 	snop  }
__scs_overlays_trampoline_lowered:
0x8: {  	[smem:$0x3FA0] =	sst s0  }
0x9: {  	[smem:$0x3FA1] =	sst s1  }
0xa: {  	[smem:$0x3FA2] =	sst s2  }
0xb: {  	[smem:$0x3FA3] =	sst s3  }
0xc: {  	[smem:$0x3FA4] =	sst s4  }
0xd: {  	[smem:$0x3FA5] =	sst s5  }
0xe: {  	[smem:$0x3FA6] =	sst s6  }
0xf: {  	[smem:$0x3FA7] =	sst s7  }
0x10: {  	[smem:$0x3FA8] =	sst s8  }
0x11: {  	[smem:$0x3FA9] =	sst s9;
	s0 =	simm.s32 @!p0 $0x0  }
0x12: {  	s1 =	sld [smem:$0x3F8F];
	s0 =	simm.s32 @p0 $0x1  }
0x13: {  	[smem:$0x3FAA] =	sst s0;
	s0 =	simm.s32 @!p1 $0x0  }
0x14: {  	s2 =	sld [smem:$0x3F8E];
	s0 =	simm.s32 @p1 $0x1  }
0x15: {  	[smem:$0x3FAB] =	sst s0;
	s0 =	simm.s32 @!p2 $0x0  }
0x16: {  	s3 =	sld [smem:$0x3FDB];
	s0 =	simm.s32 @p2 $0x1  }
0x17: {  	s4 =	simm.s32 $0x1BF5;
	[smem:$0x3FAD] =	sst s0  }
0x18: {  	s0 =	sld [smem:$0x3F90];
	_ =	swait.ge [sflag:s4], $0x0  }
0x19: {  	s7 =	sld [smem:$0x3F91]  }
0x1a: {  	s8 =	sadd.s32 $0xFFFFE003, lr  }
0x1b: {  	s9 =	sadd.s32 $0xFFFFFEF7, lr;
	s5 =	simm.s32 $0xFFFFFFFF;
	p2 =	slt.u32 s8, $0xFFFFF086  }
0x1c: {  	p1 =	slt.u32 s9, $0xF7A;
	s5 =	simm.s32 @!p2 $0x0  }
0x1d: {  	s5 =	simm.s32 @p1 $0x1;
	p0 =	seq.s32 s7, s2  }
0x1e: {  	s7 =	smul.u32 @!p0 $0xF7A, s2;
	p2 =	seq.s32 @!p0 s5, $0x0  }
0x1f: {  	s9 =	smul.u32 $0xF7A, s1;
	s8 =	simm.s32 @!p0 $0x1BF5;
	p2 =	por !p2, p0  }
0x20: {  	[sflag:s8] =	ssyncset.s32 @!p0 $0xFFFFF086;
	s6 =	sadd.s32 @!p0 s3, s7;
	s7 =	simm.s32 @!p0 $0x108  }
0x21: {  	s3 =	sadd.s32 s3, s9;
	s6 =	sadd.s32 @!p0 $0x88, s6;
	s7 =	simm.s32 @p2 $0x1082  }
0x22: {  	[simem:s7], [sflag:s8] =	dma.local @!p0 [hbm:s6], $0xF7A  }
0x23: {  	s9 =	sor.u32 $0xD0000000, s2;
	s6 =	simm.s32 $0x108;
	_ =	swait.ge @!p0 [sflag:s8], $0x0  }
0x24: {  	s3 =	sadd.s32 $0x88, s3;
	s6 =	simm.s32 @!p1 $0x1082;
	[sflag:s4] =	ssyncset.s32 $0xFFFFF086  }
0x25: {  	[simem:s6], [sflag:s4] =	dma.local [hbm:s3], $0xF7A  }
0x26: {  	[smem:$0x3F91] =	sst s1;
	(tag) =	ssettag s2;
	_ =	strace s9  }
0x27: {  	s1 =	sld [smem:$0x3FA1]  }
0x28: {  	s2 =	sld [smem:$0x3FA2]  }
0x29: {  	s4 =	sld [smem:$0x3FA4]  }
0x2a: {  	p0 =	seq.s32 s5, $0x0;
	s5 =	sld [smem:$0x3FA5]  }
0x2b: {  	s6 =	sld [smem:$0x3FA6]  }
0x2c: {  	s7 =	sld [smem:$0x3FA7]  }
0x2d: {  	s3 =	simm.s32 $0x108;
	s8 =	sld [smem:$0x3FA8]  }
0x2e: {  	s3 =	simm.s32 @!p0 $0x1082;
	s9 =	sld [smem:$0x3FA9]  }
0x2f: {  	lr =	sadd.s32 s0, s3;
	s0 =	sld [smem:$0x3FA0]  }
0x30: {  	s3 =	sld [smem:$0x3FA3]  }
0x31: {  	[smem:$0x3FAC] =	sst s10  }
0x32: {  	s10 =	sld [smem:$0x3FAA];
	_ =	sdelay $0x3  }
0x33: {  	p0 =	seq.s32 s10, $0x1;
	s10 =	sld [smem:$0x3FAC];
	_ =	sdelay $0x3  }
0x34: {  	[smem:$0x3FAC] =	sst s10  }
0x35: {  	s10 =	sld [smem:$0x3FAB];
	_ =	sdelay $0x3  }
0x36: {  	p1 =	seq.s32 s10, $0x1;
	s10 =	sld [smem:$0x3FAC];
	_ =	sdelay $0x3  }
0x37: {  	[smem:$0x3FAC] =	sst s10  }
0x38: {  	s10 =	sld [smem:$0x3FAD]  }
0x39: {  	_ = 	snop;
	(pc) =	sbr.ind lr, $3  }
0x3a: {  	_ = 	snop  }
0x3b: {  	_ = 	snop  }
0x3c: {  	p2 =	seq.s32 s10, $0x1;
	s10 =	sld [smem:$0x3FAC]  }
0x3d: {  	_ =	shalt  }
0x3e: {  	_ =	shalt  }
0x3f: {  	_ =	shalt  }
0x40: {  	_ =	shalt  }
0x41: {  	_ =	shalt  }
0x42: {  	_ =	shalt  }
0x43: {  	_ =	shalt  }
0x44: {  	_ =	shalt  }
0x45: {  	_ =	shalt  }
0x46: {  	_ =	shalt  }
0x47: {  	_ =	shalt  }
0x48: {  	_ =	shalt  }
0x49: {  	_ =	shalt  }
0x4a: {  	_ =	shalt  }
0x4b: {  	_ =	shalt  }
0x4c: {  	_ =	shalt  }
0x4d: {  	_ =	shalt  }
0x4e: {  	_ =	shalt  }
0x4f: {  	_ =	shalt  }
0x50: {  	_ =	shalt  }
0x51: {  	_ =	shalt  }
0x52: {  	_ =	shalt  }
0x53: {  	_ =	shalt  }
0x54: {  	_ =	shalt  }
0x55: {  	_ =	shalt  }
0x56: {  	_ =	shalt  }
0x57: {  	_ =	shalt  }
0x58: {  	_ =	shalt  }
0x59: {  	_ =	shalt  }
0x5a: {  	_ =	shalt  }
0x5b: {  	_ =	shalt  }
0x5c: {  	_ =	shalt  }
0x5d: {  	_ =	shalt  }
0x5e: {  	_ =	shalt  }
0x5f: {  	_ =	shalt  }
0x60: {  	_ =	shalt  }
0x61: {  	_ =	shalt  }
0x62: {  	_ =	shalt  }
0x63: {  	_ =	shalt  }
0x64: {  	_ =	shalt  }
0x65: {  	_ =	shalt  }
0x66: {  	_ =	shalt  }
0x67: {  	_ =	shalt  }
0x68: {  	_ =	shalt  }
0x69: {  	_ =	shalt  }
0x6a: {  	_ =	shalt  }
0x6b: {  	_ =	shalt  }
0x6c: {  	_ =	shalt  }
0x6d: {  	_ =	shalt  }
0x6e: {  	_ =	shalt  }
0x6f: {  	_ =	shalt  }
0x70: {  	_ =	shalt  }
0x71: {  	_ =	shalt  }
0x72: {  	_ =	shalt  }
0x73: {  	_ =	shalt  }
0x74: {  	_ =	shalt  }
0x75: {  	_ =	shalt  }
0x76: {  	_ =	shalt  }
0x77: {  	_ =	shalt  }
0x78: {  	_ =	shalt  }
0x79: {  	_ =	shalt  }
0x7a: {  	_ =	shalt  }
0x7b: {  	_ =	shalt  }
0x7c: {  	_ =	shalt  }
0x7d: {  	_ =	shalt  }
0x7e: {  	_ =	shalt  }
0x7f: {  	_ =	shalt  }
0x80: {  	_ =	shalt  }
0x81: {  	_ =	shalt  }
0x82: {  	_ =	shalt  }
0x83: {  	_ =	shalt  }
0x84: {  	_ =	shalt  }
0x85: {  	_ =	shalt  }
0x86: {  	_ =	shalt  }
0x87: {  	_ =	shalt  }
.Lfunc_end0:
.L_simem_size_0:
called_computation_lowered:
.L_overlay_start_0:
0x88: {  	s2 =	sld [smem:$0x3FD9]  }
0x89: {  	s3 =	sld [smem:$0x3FFE];
	_ =	sdelay $0x1  }
0x8a: {  	s1 =	srdreg.scid  }
0x8b: {  	s0 =	sand.u32 $0x1, s1  }
0x8c: {  	s14 =	sshll.u32 s0, $0xA;
	s2 =	sadd.s32 s3, s2  }
0x8d: {  	s2 =	sadd.s32 s2, s14  }
0x8e: {  	[smem:$0x3FB8] =	sst s2  }
0x8f: {  	_ = 	snop  }
0x90: {  	s2 =	sld [smem:$0x3FD0];
	_ =	sdelay $0x2  }
0x91: {  	s15 =	simm.s32 $0xA;
	s4 =	simm.s32 $0x10  }
0x92: {  	[smem:s4], [sflag:s15] =	dma.local [hbm:s2], $0x1  }
0x93: {  	_ =	swait.eq [sflag:s15], $0x1  }
0x94: {  	s16 =	sld [smem:$0x10]  }
0x95: {  	s17 =	sld [smem:$0x11]  }
0x96: {  	s5 =	sld [smem:$0x12];
	[sflag:s15] =	ssyncset.done $0x0  }
0x97: {  	s6 =	sld [smem:$0x13];
	[sflag:s15] =	ssyncadd.s32 $0xFFFFFFFF  }
0x98: {  	s18 =	sld [smem:$0x14];
	(tm) =	ssettm $0x1  }
0x99: {  	s7 =	sld [smem:$0x3FFB];
	_ =	sdelay $0x3  }
0x9a: {  	_ =	strace s7  }
0x9b: {  	s7 =	sld [smem:$0x3FFC];
	_ =	sdelay $0x3  }
0x9c: {  	_ =	strace s7  }
0x9d: {  	s7 =	sld [smem:$0x3FFD];
	_ =	sdelay $0x3  }
0x9e: {  	_ =	strace s7  }
0x9f: {  	_ =	strace $0x8FFFFFFF  }
0xa0: {  	s19 =	sld [smem:$0x3FDB];
	_ =	sdelay $0x1  }
0xa1: {  	s8 =	simm.s32 $_scs_section_size  }
0xa2: {  	s9 =	simm.s32 $_size__tile_overlayer_lowered;
	s10 =	simm.s32 $_tile_overlayer_lowered  }
0xa3: {  	s22 =	simm.s32 $0x1BFF;
	s21 =	sshll.u32 s10, $0x1;
	s7 =	sadd.s32 s8, s19  }
0xa4: {  	s11 =	simm.s32 $0x0;
	s20 =	sshll.u32 s9, $0x1;
	s9 =	sadd.s32 s21, s7  }
0xa5: {  	[timem:s11], [sflag:s22] =	dma.local [hbm:s9], s20  }
0xa6: {  	_ =	swait.ge [sflag:s22], s20  }
0xa7: {  	s8 =	ssub.s32 $0x0, s20;
	[sflag:s22] =	ssyncset.done $0x0  }
0xa8: {  	[sflag:s22] =	ssyncadd.s32 s8;
	_ =	sdelay $0x1  }
0xa9: {  	s23 =	simm.s32 $0x1B8B  }
0xaa: {  	_ =	swait.ge [sflag:s23], $0x1  }
0xab: {  	[sflag:s23] =	ssyncset.done $0x0  }
0xac: {  	s25 =	simm.s32 $0x1B8E;
	s24 =	sld [smem:$0x3FFE];
	[sflag:s23] =	ssyncadd.s32 $0xFFFFFFFF  }
0xad: {  	s26 =	simm.s32 $execute0_lowered;
	[smem:$0x3FD2] =	sst s25  }
0xae: {  	s9 =	sshll.u32 s26, $0x1;
	_ =	strace $0x80000046;
	[dreg:$0x1] =	wrdreg $0xFFFFFFFF  }
0xaf: {  	s28 =	simm.s32 $_size_execute0_lowered;
	s7 =	sadd.s32 s7, s9;
	[dreg:$0x0] =	wrdreg $0x0  }
0xb0: {  	s9 =	sshll.u32 s28, $0x1;
	[dreg:$0x2] =	wrdreg s7  }
0xb1: {  	[dreg:$0x3] =	wrdreg s9  }
0xb2: {  	[dreg:$0x4] =	wrdreg $0xC0  }
0xb3: {  	_ =	task [dreg:s11], $0x5FFFF  }
0xb4: {  	[dreg:$0x1] =	wrdreg $0xFFFFFFFF  }
0xb5: {  	[dreg:$0x0] =	wrdreg $0x60  }
0xb6: {  	[dreg:$0x2] =	wrdreg s6  }
0xb7: {  	[dreg:$0x3] =	wrdreg s24  }
0xb8: {  	[dreg:$0x4] =	wrdreg s18  }
0xb9: {  	[dreg:$0x5] =	wrdreg s5  }
0xba: {  	[dreg:$0x6] =	wrdreg s17  }
0xbb: {  	[dreg:$0x7] =	wrdreg s16  }
0xbc: {  	[dreg:$0x8] =	wrdreg $0x9  }
0xbd: {  	_ =	task.clear_ibuf [dreg:s11], $0x9FFFF;
	_ =	strace $0x90000046  }
0xbe: {  	s29 =	simm.s32 $0x9;
	_ =	strace $0x80000048  }
0xbf: {  	_ =	swait.ge [sflag:s29], $0x1  }
0xc0: {  	[sflag:s29] =	ssyncadd.s32 $0xFFFFFFFF  }
0xc1: {  	_ =	strace $0x90000048  }
0xc2: {  	_ =	sfence  }
0xc3: {  	s30 =	sld [smem:$0x0];
	_ =	sdelay $0x2  }
0xc4: {  	s31 =	sshll.u32 s1, $0xD;
	s1 =	sshrl.u32 s1, $0x2  }
0xc5: {  	s3 =	sand.u32 $0x4000, s31;
	s1 =	sadd.s32 s1, s30  }
0xc6: {  	s0 =	sor.u32 s3, s0;
	s1 =	sshll.u32 s1, $0x11  }
0xc7: {  	s0 =	sor.u32 s1, s0  }
0xc8: {  	s0 =	sadd.s32 $0x8F2B, s0  }
0xc9: {  	[sflag:s0] =	ssyncadd.remote.s32 $0x1  }
0xca: {  	_ =	sfence.sel $0xFFFF  }
0xcb: {  	[dreg:$0x0] =	wrdreg $0xFFFFFFFF;
	(pc) =	sbr.abs _section_cstart, $3  }
0xcc: {  	[dreg:$0x1] =	wrdreg $0xFFFFFFFF  }
0xcd: {  	_ =	task.clear_ibuf [dreg:s11], $0x2FFFF;
	_ =	strace $0x9FFFFFFF  }
0xce: {  	(tm) =	ssettm $0x7FFFFFFF  }
0xcf: {  	_ =	shalt  }
tec
execute0_lowered:
.L_overlay_start_1:
0x0: {  	(tag) =	ssettag $0x1  }
0x1: {  	s0 =	rddreg [dreg:$0x0]  }
0x2: {  	s1 =	rddreg [dreg:$0x1]  }
0x3: {  	s7 =	rddreg [dreg:$0x2]  }
0x4: {  	s3 =	rddreg [dreg:$0x3]  }
0x5: {  	s4 =	rddreg [dreg:$0x4];
	s2 =	srdreg.scid  }
0x6: {  	s8 =	stileid.u32;
	s5 =	rddreg [dreg:$0x5]  }
0x7: {  	s25 =	simm.s32 $0x2600;
	s26 =	simm.s32 $0x280;
	s18 =	simm.s32 $0x480  }
0x8: {  	s19 =	simm.s32 $0x12600;
	s20 =	simm.s32 $0x100;
	s21 =	simm.s32 $0x4600  }
0x9: {  	s22 =	simm.s32 $0x300;
	s23 =	simm.s32 $0xC600;
	s24 =	simm.s32 $0x500  }
0xa: {  	s28 =	simm.s32 $0x6600;
	s29 =	simm.s32 $0x380;
	p0 =	por $0x0, $0x0  }
0xb: {  	s30 =	simm.s32 $0xE600;
	s6 =	sand.u32 $0x1, s2;
	s8 =	sshll.u32 s8, $0x1  }
0xc: {  	s31 =	simm.s32 $0x580;
	s2 =	simm.s32 $0x0;
	s9 =	sor.u32 s6, s8  }
0xd: {  	[smem:$0x7FF] =	sst s2;
	s6 =	ssub.s32 $0x2, s6;
	s8 =	sshll.u32 s9, $0x6  }
0xe: {  	_ =	strace $0x80000047;
	s9 =	sshll.u32 s9, $0xC;
	[dreg:$0xd] =	wrdreg s25  }
0xf: {  	s14 =	sshrl.u32 s6, $0x1;
	[dreg:$0xe] =	wrdreg s26;
	s25 =	simm.s32 $0x14600  }
0x10: {  	s26 =	simm.s32 $0x180;
	s10 =	sadd.s32 s8, s1;
	s0 =	sadd.s32 s0, s8  }
0x11: {  	s8 =	sadd.s32 $0x1800, s1;
	s13 =	sadd.s32 s3, s9;
	s15 =	sadd.s32 s4, s9  }
0x12: {  	s3 =	ssub.s32 s6, s14;
	s16 =	sadd.s32 s5, s9;
	s14 =	simm.s32 $0x400  }
0x13: {  	s6 =	simm.s32 $0x600;
	s5 =	simm.s32 $0x8600;
	s4 =	simm.s32 $0x10600  }
0x14: {  	s9 =	simm.s32 $0x3;
	[dreg:$0x7] =	wrdreg s0;
	s17 =	smax.u32 s3, $0x1  }
0x15: {  	s11 =	sadd.s32 $0x2000, s10;
	[dreg:$0xa] =	wrdreg s13;
	p1 =	sne.s32 s17, $0x1  }
.Ltmp0:
0x16: {  	s12 =	sadd.s32 $0x2800, s10;
	[dreg:$0xb] =	wrdreg s15;
	(pc) =	sbr.rel @!p1 .LBB2_1-.Ltmp0, $4  }
0x17: {  	s10 =	sadd.s32 $0x1C00, s1;
	[dreg:$0xc] =	wrdreg s16;
	s3 =	simm.s32 $0x4  }
0x18: {  	s15 =	simm.s32 $0x200;
	s13 =	simm.s32 $0x80;
	[dreg:$0x8] =	wrdreg s11  }
0x19: {  	[dreg:$0x9] =	wrdreg s12;
	s16 =	sadd.s32 $0xFFFFFFFF, s17;
	s17 =	simm.s32 $0x16600  }
0x1a: {  	s12 =	simm.s32 $0x1;
	s11 =	simm.s32 $0x2;
	s0 =	rddreg [dreg:$0x7]  }
0x1b: {  	[tilespmem:s2], [sflag:$0x4] =	stream.linear.gather [hbm4b:s0+s2], $0x200, $0x38;
	[tilespmem:$0x18600] =	vst v63  }
0x1c: {  	_ =	swait.ge [sflag:s3], $0x200  }
0x1d: {  	[sflag:s3] =	ssyncset.done $0x0  }
0x1e: {  	s1 =	rddreg [dreg:$0x8];
	[sflag:s3] =	ssyncadd.s32 $0xFFFFFE00  }
0x1f: {  	[tilespmem:s15], [sflag:$0x4] =	stream.linear.gather [hbm4b:s1+s2], $0x200, $0x38;
	[tilespmem:$0x18600] =	vst v63  }
0x20: {  	_ =	swait.ge [sflag:s3], $0x200  }
0x21: {  	[sflag:s3] =	ssyncset.done $0x0  }
0x22: {  	s1 =	rddreg [dreg:$0x9];
	[sflag:s3] =	ssyncadd.s32 $0xFFFFFE00  }
0x23: {  	[tilespmem:s14], [sflag:$0x4] =	stream.linear.gather [hbm4b:s1+s2], $0x200, $0x38;
	[tilespmem:$0x18600] =	vst v63  }
0x24: {  	_ =	swait.ge [sflag:s3], $0x200  }
0x25: {  	[sflag:s3] =	ssyncset.done $0x0  }
0x26: {  	[sflag:s3] =	ssyncadd.s32 $0xFFFFFE00  }
0x27: {  	[tilespmem:s6], [sflag:$0x1] =	stream.indirect.gather [hbm4b:s7+s13], $0x40, s2, s13, $0xb8;
	[tilespmem:$0x18600] =	vst v63  }
0x28: {  	_ = 	snop  }
0x29: {  	[tilespmem:s5], [sflag:$0x2] =	stream.indirect.gather [hbm4b:s8+s13], $0x40, s15, s13, $0xb8;
	[tilespmem:$0x18600] =	vst v63  }
0x2a: {  	_ = 	snop  }
0x2b: {  	[tilespmem:s4], [sflag:$0x3] =	stream.indirect.gather [hbm4b:s10+s13], $0x40, s14, s13, $0xb8;
	[tilespmem:$0x18600] =	vst v63  }
0x2c: {  	s0 =	rddreg [dreg:$0xd]  }
0x2d: {  	[tilespmem:s0], [sflag:$0x1] =	stream.indirect.gather [hbm4b:s7+s13], $0x40, s13, s13, $0xb8;
	[tilespmem:$0x18600] =	vst v63  }
0x2e: {  	s1 =	rddreg [dreg:$0xe];
	s0 =	simm.s32 $0xA600  }
0x2f: {  	[tilespmem:s0], [sflag:$0x2] =	stream.indirect.gather [hbm4b:s8+s13], $0x40, s1, s13, $0xb8;
	[tilespmem:$0x18600] =	vst v63  }
0x30: {  	_ = 	snop  }
0x31: {  	[tilespmem:s19], [sflag:$0x3] =	stream.indirect.gather [hbm4b:s10+s13], $0x40, s18, s13, $0xb8;
	[tilespmem:$0x18600] =	vst v63  }
0x32: {  	_ = 	snop  }
0x33: {  	[tilespmem:s21], [sflag:$0x1] =	stream.indirect.gather [hbm4b:s7+s13], $0x40, s20, s13, $0xb8;
	[tilespmem:$0x18600] =	vst v63  }
0x34: {  	_ = 	snop  }
0x35: {  	[tilespmem:s23], [sflag:$0x2] =	stream.indirect.gather [hbm4b:s8+s13], $0x40, s22, s13, $0xb8;
	[tilespmem:$0x18600] =	vst v63  }
0x36: {  	_ = 	snop  }
0x37: {  	[tilespmem:s25], [sflag:$0x3] =	stream.indirect.gather [hbm4b:s10+s13], $0x40, s24, s13, $0xb8;
	[tilespmem:$0x18600] =	vst v63  }
0x38: {  	_ = 	snop  }
0x39: {  	[tilespmem:s28], [sflag:$0x1] =	stream.indirect.gather [hbm4b:s7+s13], $0x40, s26, s13, $0xb8;
	[tilespmem:$0x18600] =	vst v63  }
0x3a: {  	_ = 	snop  }
0x3b: {  	[tilespmem:s30], [sflag:$0x2] =	stream.indirect.gather [hbm4b:s8+s13], $0x40, s29, s13, $0xb8;
	[tilespmem:$0x18600] =	vst v63  }
0x3c: {  	_ = 	snop  }
0x3d: {  	[tilespmem:s17], [sflag:$0x3] =	stream.indirect.gather [hbm4b:s10+s13], $0x40, s31, s13, $0xb8;
	[tilespmem:$0x18600] =	vst v63  }
0x3e: {  	_ =	swait.ge [sflag:s12], $0x2000  }
0x3f: {  	[sflag:s12] =	ssyncset.done $0x0  }
0x40: {  	[sflag:s12] =	ssyncadd.s32 $0xFFFFE000  }
0x41: {  	_ =	swait.ge [sflag:s11], $0x2000  }
0x42: {  	[sflag:s11] =	ssyncset.done $0x0  }
0x43: {  	[sflag:s11] =	ssyncadd.s32 $0xFFFFE000  }
0x44: {  	_ =	swait.ge [sflag:s9], $0x2000  }
0x45: {  	[sflag:s9] =	ssyncset.done $0x0  }
0x46: {  	[sflag:s9] =	ssyncadd.s32 $0xFFFFE000  }
0x47: {  	_ =	swait.ge [sflag:s12], $0x2000  }
0x48: {  	[sflag:s12] =	ssyncset.done $0x0  }
0x49: {  	[sflag:s12] =	ssyncadd.s32 $0xFFFFE000  }
0x4a: {  	_ =	swait.ge [sflag:s11], $0x2000  }
0x4b: {  	[sflag:s11] =	ssyncset.done $0x0  }
0x4c: {  	[sflag:s11] =	ssyncadd.s32 $0xFFFFE000  }
0x4d: {  	_ =	swait.ge [sflag:s9], $0x2000  }
0x4e: {  	[sflag:s9] =	ssyncset.done $0x0  }
0x4f: {  	[sflag:s9] =	ssyncadd.s32 $0xFFFFE000  }
0x50: {  	_ =	swait.ge [sflag:s12], $0x2000  }
0x51: {  	[sflag:s12] =	ssyncset.done $0x0  }
0x52: {  	[sflag:s12] =	ssyncadd.s32 $0xFFFFE000  }
0x53: {  	_ =	swait.ge [sflag:s11], $0x2000  }
0x54: {  	[sflag:s11] =	ssyncset.done $0x0  }
0x55: {  	[sflag:s11] =	ssyncadd.s32 $0xFFFFE000  }
0x56: {  	_ =	swait.ge [sflag:s9], $0x2000  }
0x57: {  	[sflag:s9] =	ssyncset.done $0x0  }
0x58: {  	[sflag:s9] =	ssyncadd.s32 $0xFFFFE000  }
0x59: {  	_ =	swait.ge [sflag:s12], $0x2000  }
0x5a: {  	[sflag:s12] =	ssyncset.done $0x0  }
0x5b: {  	[sflag:s12] =	ssyncadd.s32 $0xFFFFE000  }
0x5c: {  	_ =	swait.ge [sflag:s11], $0x2000  }
0x5d: {  	[sflag:s11] =	ssyncset.done $0x0  }
0x5e: {  	[sflag:s11] =	ssyncadd.s32 $0xFFFFE000  }
0x5f: {  	_ =	swait.ge [sflag:s9], $0x2000  }
0x60: {  	[sflag:s9] =	ssyncset.done $0x0  }
0x61: {  	s1 =	rddreg [dreg:$0xa];
	[sflag:s9] =	ssyncadd.s32 $0xFFFFE000  }
0x62: {  	[hbm4b:s1+s2] =	stream.linear.scatter [tilespmem:s6], [sflag:$0x4], $0x8000, $0x38;
	[tilespmem:$0x18600] =	vst v63  }
0x63: {  	_ =	swait.ge [sflag:s3], $0x8000  }
0x64: {  	[sflag:s3] =	ssyncset.done $0x0  }
0x65: {  	s1 =	rddreg [dreg:$0xb];
	[sflag:s3] =	ssyncadd.s32 $0xFFFF8000  }
0x66: {  	[hbm4b:s1+s2] =	stream.linear.scatter [tilespmem:s5], [sflag:$0x4], $0x8000, $0x38;
	[tilespmem:$0x18600] =	vst v63  }
0x67: {  	p1 =	sne.s32 s16, $0x1;
	_ =	swait.ge [sflag:s3], $0x8000  }
.Ltmp1:
0x68: {  	[sflag:s3] =	ssyncset.done $0x0;
	(pc) =	sbr.rel @!p1 .LBB2_3-.Ltmp1, $4  }
0x69: {  	s1 =	rddreg [dreg:$0xc];
	[sflag:s3] =	ssyncadd.s32 $0xFFFF8000  }
0x6a: {  	[hbm4b:s1+s2] =	stream.linear.scatter [tilespmem:s4], [sflag:$0x4], $0x8000, $0x38;
	[tilespmem:$0x18600] =	vst v63  }
0x6b: {  	p0 =	por $0x1, $0x1;
	_ =	swait.ge [sflag:s3], $0x8000  }
0x6c: {  	s1 =	sadd.s32 $0xFFFFFFFF, s16;
	s0 =	rddreg [dreg:$0x7];
	[sflag:s3] =	ssyncset.done $0x0  }
.LBB2_4:
0x6d: {  	[sflag:s3] =	ssyncadd.s32 $0xFFFF8000  }
0x6e: {  	[tilespmem:s2], [sflag:$0x4] =	stream.linear.gather [hbm4b:s0+s2], $0x200, $0x38;
	[tilespmem:$0x18600] =	vst v63  }
0x6f: {  	_ =	swait.ge [sflag:s3], $0x200  }
0x70: {  	[sflag:s3] =	ssyncset.done $0x0  }
0x71: {  	s16 =	rddreg [dreg:$0x8];
	[sflag:s3] =	ssyncadd.s32 $0xFFFFFE00  }
0x72: {  	[tilespmem:s15], [sflag:$0x4] =	stream.linear.gather [hbm4b:s16+s2], $0x200, $0x38;
	[tilespmem:$0x18600] =	vst v63  }
0x73: {  	_ =	swait.ge [sflag:s3], $0x200  }
0x74: {  	[sflag:s3] =	ssyncset.done $0x0  }
0x75: {  	s16 =	rddreg [dreg:$0x9];
	[sflag:s3] =	ssyncadd.s32 $0xFFFFFE00  }
0x76: {  	[tilespmem:s14], [sflag:$0x4] =	stream.linear.gather [hbm4b:s16+s2], $0x200, $0x38;
	[tilespmem:$0x18600] =	vst v63  }
0x77: {  	_ =	swait.ge [sflag:s3], $0x200  }
0x78: {  	[sflag:s3] =	ssyncset.done $0x0  }
0x79: {  	[sflag:s3] =	ssyncadd.s32 $0xFFFFFE00  }
0x7a: {  	[tilespmem:s6], [sflag:$0x1] =	stream.indirect.gather [hbm4b:s7+s13], $0x40, s2, s13, $0xb8;
	[tilespmem:$0x18600] =	vst v63  }
0x7b: {  	_ = 	snop  }
0x7c: {  	[tilespmem:s5], [sflag:$0x2] =	stream.indirect.gather [hbm4b:s8+s13], $0x40, s15, s13, $0xb8;
	[tilespmem:$0x18600] =	vst v63  }
0x7d: {  	_ = 	snop  }
0x7e: {  	[tilespmem:s4], [sflag:$0x3] =	stream.indirect.gather [hbm4b:s10+s13], $0x40, s14, s13, $0xb8;
	[tilespmem:$0x18600] =	vst v63  }
0x7f: {  	s0 =	rddreg [dreg:$0xd]  }
0x80: {  	[tilespmem:s0], [sflag:$0x1] =	stream.indirect.gather [hbm4b:s7+s13], $0x40, s13, s13, $0xb8;
	[tilespmem:$0x18600] =	vst v63  }
0x81: {  	s16 =	rddreg [dreg:$0xe];
	s0 =	simm.s32 $0xA600  }
0x82: {  	[tilespmem:s0], [sflag:$0x2] =	stream.indirect.gather [hbm4b:s8+s13], $0x40, s16, s13, $0xb8;
	[tilespmem:$0x18600] =	vst v63  }
0x83: {  	_ = 	snop  }
0x84: {  	[tilespmem:s19], [sflag:$0x3] =	stream.indirect.gather [hbm4b:s10+s13], $0x40, s18, s13, $0xb8;
	[tilespmem:$0x18600] =	vst v63  }
0x85: {  	_ = 	snop  }
0x86: {  	[tilespmem:s21], [sflag:$0x1] =	stream.indirect.gather [hbm4b:s7+s13], $0x40, s20, s13, $0xb8;
	[tilespmem:$0x18600] =	vst v63  }
0x87: {  	_ = 	snop  }
0x88: {  	[tilespmem:s23], [sflag:$0x2] =	stream.indirect.gather [hbm4b:s8+s13], $0x40, s22, s13, $0xb8;
	[tilespmem:$0x18600] =	vst v63  }
0x89: {  	_ = 	snop  }
0x8a: {  	[tilespmem:s25], [sflag:$0x3] =	stream.indirect.gather [hbm4b:s10+s13], $0x40, s24, s13, $0xb8;
	[tilespmem:$0x18600] =	vst v63  }
0x8b: {  	_ = 	snop  }
0x8c: {  	[tilespmem:s28], [sflag:$0x1] =	stream.indirect.gather [hbm4b:s7+s13], $0x40, s26, s13, $0xb8;
	[tilespmem:$0x18600] =	vst v63  }
0x8d: {  	_ = 	snop  }
0x8e: {  	[tilespmem:s30], [sflag:$0x2] =	stream.indirect.gather [hbm4b:s8+s13], $0x40, s29, s13, $0xb8;
	[tilespmem:$0x18600] =	vst v63  }
0x8f: {  	_ = 	snop  }
0x90: {  	[tilespmem:s17], [sflag:$0x3] =	stream.indirect.gather [hbm4b:s10+s13], $0x40, s31, s13, $0xb8;
	[tilespmem:$0x18600] =	vst v63  }
0x91: {  	_ =	swait.ge [sflag:s12], $0x2000  }
0x92: {  	[sflag:s12] =	ssyncset.done $0x0  }
0x93: {  	[sflag:s12] =	ssyncadd.s32 $0xFFFFE000  }
0x94: {  	_ =	swait.ge [sflag:s11], $0x2000  }
0x95: {  	[sflag:s11] =	ssyncset.done $0x0  }
0x96: {  	[sflag:s11] =	ssyncadd.s32 $0xFFFFE000  }
0x97: {  	_ =	swait.ge [sflag:s9], $0x2000  }
0x98: {  	[sflag:s9] =	ssyncset.done $0x0  }
0x99: {  	[sflag:s9] =	ssyncadd.s32 $0xFFFFE000  }
0x9a: {  	_ =	swait.ge [sflag:s12], $0x2000  }
0x9b: {  	[sflag:s12] =	ssyncset.done $0x0  }
0x9c: {  	[sflag:s12] =	ssyncadd.s32 $0xFFFFE000  }
0x9d: {  	_ =	swait.ge [sflag:s11], $0x2000  }
0x9e: {  	[sflag:s11] =	ssyncset.done $0x0  }
0x9f: {  	[sflag:s11] =	ssyncadd.s32 $0xFFFFE000  }
0xa0: {  	_ =	swait.ge [sflag:s9], $0x2000  }
0xa1: {  	[sflag:s9] =	ssyncset.done $0x0  }
0xa2: {  	[sflag:s9] =	ssyncadd.s32 $0xFFFFE000  }
0xa3: {  	_ =	swait.ge [sflag:s12], $0x2000  }
0xa4: {  	[sflag:s12] =	ssyncset.done $0x0  }
0xa5: {  	[sflag:s12] =	ssyncadd.s32 $0xFFFFE000  }
0xa6: {  	_ =	swait.ge [sflag:s11], $0x2000  }
0xa7: {  	[sflag:s11] =	ssyncset.done $0x0  }
0xa8: {  	[sflag:s11] =	ssyncadd.s32 $0xFFFFE000  }
0xa9: {  	_ =	swait.ge [sflag:s9], $0x2000  }
0xaa: {  	[sflag:s9] =	ssyncset.done $0x0  }
0xab: {  	[sflag:s9] =	ssyncadd.s32 $0xFFFFE000  }
0xac: {  	_ =	swait.ge [sflag:s12], $0x2000  }
0xad: {  	[sflag:s12] =	ssyncset.done $0x0  }
0xae: {  	[sflag:s12] =	ssyncadd.s32 $0xFFFFE000  }
0xaf: {  	_ =	swait.ge [sflag:s11], $0x2000  }
0xb0: {  	[sflag:s11] =	ssyncset.done $0x0  }
0xb1: {  	[sflag:s11] =	ssyncadd.s32 $0xFFFFE000  }
0xb2: {  	_ =	swait.ge [sflag:s9], $0x2000  }
0xb3: {  	[sflag:s9] =	ssyncset.done $0x0  }
0xb4: {  	s16 =	rddreg [dreg:$0xa];
	[sflag:s9] =	ssyncadd.s32 $0xFFFFE000  }
0xb5: {  	[hbm4b:s16+s2] =	stream.linear.scatter [tilespmem:s6], [sflag:$0x4], $0x8000, $0x38;
	[tilespmem:$0x18600] =	vst v63  }
0xb6: {  	_ =	swait.ge [sflag:s3], $0x8000  }
0xb7: {  	[sflag:s3] =	ssyncset.done $0x0  }
0xb8: {  	s16 =	rddreg [dreg:$0xb];
	[sflag:s3] =	ssyncadd.s32 $0xFFFF8000  }
0xb9: {  	[hbm4b:s16+s2] =	stream.linear.scatter [tilespmem:s5], [sflag:$0x4], $0x8000, $0x38;
	[tilespmem:$0x18600] =	vst v63  }
0xba: {  	p1 =	sne.s32 s1, $0x1;
	_ =	swait.ge [sflag:s3], $0x8000  }
.Ltmp2:
0xbb: {  	[sflag:s3] =	ssyncset.done $0x0;
	(pc) =	sbr.rel @p1 .LBB2_4-.Ltmp2, $4  }
0xbc: {  	s16 =	rddreg [dreg:$0xc];
	[sflag:s3] =	ssyncadd.s32 $0xFFFF8000  }
0xbd: {  	[hbm4b:s16+s2] =	stream.linear.scatter [tilespmem:s4], [sflag:$0x4], $0x8000, $0x38;
	[tilespmem:$0x18600] =	vst v63  }
0xbe: {  	_ =	swait.ge [sflag:s3], $0x8000  }
0xbf: {  	s1 =	sadd.s32 $0xFFFFFFFF, s1;
	s0 =	rddreg [dreg:$0x7];
	[sflag:s3] =	ssyncset.done $0x0  }
0xc0: {  	s16 =	simm.s32 $0x16600;
	s31 =	simm.s32 $0x580;
	s30 =	simm.s32 $0xE600  }
0xc1: {  	s29 =	simm.s32 $0x380;
	s28 =	simm.s32 $0x6600;
	s26 =	simm.s32 $0x180  }
0xc2: {  	s25 =	simm.s32 $0x14600;
	s24 =	simm.s32 $0x500;
	s23 =	simm.s32 $0xC600  }
0xc3: {  	s22 =	simm.s32 $0x300;
	s21 =	simm.s32 $0x4600;
	s20 =	simm.s32 $0x100  }
0xc4: {  	s19 =	simm.s32 $0x12600;
	s18 =	simm.s32 $0x480;
	s17 =	simm.s32 $0xA600  }
.LBB2_6:
0xc5: {  	[sflag:s3] =	ssyncadd.s32 @p0 $0xFFFF8000  }
0xc6: {  	[tilespmem:s2], [sflag:$0x4] =	stream.linear.gather [hbm4b:s0+s2], $0x200, $0x38;
	[tilespmem:$0x18600] =	vst v63  }
0xc7: {  	_ =	swait.ge [sflag:s3], $0x200  }
0xc8: {  	[sflag:s3] =	ssyncset.done $0x0  }
0xc9: {  	s1 =	rddreg [dreg:$0x8];
	[sflag:s3] =	ssyncadd.s32 $0xFFFFFE00  }
0xca: {  	[tilespmem:s15], [sflag:$0x4] =	stream.linear.gather [hbm4b:s1+s2], $0x200, $0x38;
	[tilespmem:$0x18600] =	vst v63  }
0xcb: {  	_ =	swait.ge [sflag:s3], $0x200  }
0xcc: {  	[sflag:s3] =	ssyncset.done $0x0  }
0xcd: {  	s1 =	rddreg [dreg:$0x9];
	[sflag:s3] =	ssyncadd.s32 $0xFFFFFE00  }
0xce: {  	[tilespmem:s14], [sflag:$0x4] =	stream.linear.gather [hbm4b:s1+s2], $0x200, $0x38;
	[tilespmem:$0x18600] =	vst v63  }
0xcf: {  	_ =	swait.ge [sflag:s3], $0x200  }
0xd0: {  	[sflag:s3] =	ssyncset.done $0x0  }
0xd1: {  	[sflag:s3] =	ssyncadd.s32 $0xFFFFFE00  }
0xd2: {  	[tilespmem:s6], [sflag:$0x1] =	stream.indirect.gather [hbm4b:s7+s13], $0x40, s2, s13, $0xb8;
	[tilespmem:$0x18600] =	vst v63  }
0xd3: {  	_ = 	snop  }
0xd4: {  	[tilespmem:s5], [sflag:$0x2] =	stream.indirect.gather [hbm4b:s8+s13], $0x40, s15, s13, $0xb8;
	[tilespmem:$0x18600] =	vst v63  }
0xd5: {  	_ = 	snop  }
0xd6: {  	[tilespmem:s4], [sflag:$0x3] =	stream.indirect.gather [hbm4b:s10+s13], $0x40, s14, s13, $0xb8;
	[tilespmem:$0x18600] =	vst v63  }
0xd7: {  	s15 =	rddreg [dreg:$0xd]  }
0xd8: {  	[tilespmem:s15], [sflag:$0x1] =	stream.indirect.gather [hbm4b:s7+s13], $0x40, s13, s13, $0xb8;
	[tilespmem:$0x18600] =	vst v63  }
0xd9: {  	s1 =	rddreg [dreg:$0xe]  }
0xda: {  	[tilespmem:s17], [sflag:$0x2] =	stream.indirect.gather [hbm4b:s8+s13], $0x40, s1, s13, $0xb8;
	[tilespmem:$0x18600] =	vst v63  }
0xdb: {  	_ = 	snop  }
0xdc: {  	[tilespmem:s19], [sflag:$0x3] =	stream.indirect.gather [hbm4b:s10+s13], $0x40, s18, s13, $0xb8;
	[tilespmem:$0x18600] =	vst v63  }
0xdd: {  	_ = 	snop  }
0xde: {  	[tilespmem:s21], [sflag:$0x1] =	stream.indirect.gather [hbm4b:s7+s13], $0x40, s20, s13, $0xb8;
	[tilespmem:$0x18600] =	vst v63  }
0xdf: {  	_ = 	snop  }
0xe0: {  	[tilespmem:s23], [sflag:$0x2] =	stream.indirect.gather [hbm4b:s8+s13], $0x40, s22, s13, $0xb8;
	[tilespmem:$0x18600] =	vst v63  }
0xe1: {  	_ = 	snop  }
0xe2: {  	[tilespmem:s25], [sflag:$0x3] =	stream.indirect.gather [hbm4b:s10+s13], $0x40, s24, s13, $0xb8;
	[tilespmem:$0x18600] =	vst v63  }
0xe3: {  	_ = 	snop  }
0xe4: {  	[tilespmem:s28], [sflag:$0x1] =	stream.indirect.gather [hbm4b:s7+s13], $0x40, s26, s13, $0xb8;
	[tilespmem:$0x18600] =	vst v63  }
0xe5: {  	_ = 	snop  }
0xe6: {  	[tilespmem:s30], [sflag:$0x2] =	stream.indirect.gather [hbm4b:s8+s13], $0x40, s29, s13, $0xb8;
	[tilespmem:$0x18600] =	vst v63  }
0xe7: {  	_ = 	snop  }
0xe8: {  	[tilespmem:s16], [sflag:$0x3] =	stream.indirect.gather [hbm4b:s10+s13], $0x40, s31, s13, $0xb8;
	[tilespmem:$0x18600] =	vst v63  }
0xe9: {  	_ =	swait.ge [sflag:s12], $0x2000  }
0xea: {  	[sflag:s12] =	ssyncset.done $0x0  }
0xeb: {  	[sflag:s12] =	ssyncadd.s32 $0xFFFFE000  }
0xec: {  	_ =	swait.ge [sflag:s11], $0x2000  }
0xed: {  	[sflag:s11] =	ssyncset.done $0x0  }
0xee: {  	[sflag:s11] =	ssyncadd.s32 $0xFFFFE000  }
0xef: {  	_ =	swait.ge [sflag:s9], $0x2000  }
0xf0: {  	[sflag:s9] =	ssyncset.done $0x0  }
0xf1: {  	[sflag:s9] =	ssyncadd.s32 $0xFFFFE000  }
0xf2: {  	_ =	swait.ge [sflag:s12], $0x2000  }
0xf3: {  	[sflag:s12] =	ssyncset.done $0x0  }
0xf4: {  	[sflag:s12] =	ssyncadd.s32 $0xFFFFE000  }
0xf5: {  	_ =	swait.ge [sflag:s11], $0x2000  }
0xf6: {  	[sflag:s11] =	ssyncset.done $0x0  }
0xf7: {  	[sflag:s11] =	ssyncadd.s32 $0xFFFFE000  }
0xf8: {  	_ =	swait.ge [sflag:s9], $0x2000  }
0xf9: {  	[sflag:s9] =	ssyncset.done $0x0  }
0xfa: {  	[sflag:s9] =	ssyncadd.s32 $0xFFFFE000  }
0xfb: {  	_ =	swait.ge [sflag:s12], $0x2000  }
0xfc: {  	[sflag:s12] =	ssyncset.done $0x0  }
0xfd: {  	[sflag:s12] =	ssyncadd.s32 $0xFFFFE000  }
0xfe: {  	_ =	swait.ge [sflag:s11], $0x2000  }
0xff: {  	[sflag:s11] =	ssyncset.done $0x0  }
0x100: {  	[sflag:s11] =	ssyncadd.s32 $0xFFFFE000  }
0x101: {  	_ =	swait.ge [sflag:s9], $0x2000  }
0x102: {  	[sflag:s9] =	ssyncset.done $0x0  }
0x103: {  	[sflag:s9] =	ssyncadd.s32 $0xFFFFE000  }
0x104: {  	_ =	swait.ge [sflag:s12], $0x2000  }
0x105: {  	[sflag:s12] =	ssyncset.done $0x0  }
0x106: {  	[sflag:s12] =	ssyncadd.s32 $0xFFFFE000  }
0x107: {  	_ =	swait.ge [sflag:s11], $0x2000  }
0x108: {  	[sflag:s11] =	ssyncset.done $0x0  }
0x109: {  	[sflag:s11] =	ssyncadd.s32 $0xFFFFE000  }
0x10a: {  	_ =	swait.ge [sflag:s9], $0x2000  }
0x10b: {  	[sflag:s9] =	ssyncset.done $0x0  }
0x10c: {  	s28 =	rddreg [dreg:$0xa];
	[sflag:s9] =	ssyncadd.s32 $0xFFFFE000  }
0x10d: {  	[hbm4b:s28+s2] =	stream.linear.scatter [tilespmem:s6], [sflag:$0x4], $0x8000, $0x38;
	[tilespmem:$0x18600] =	vst v63  }
0x10e: {  	_ =	swait.ge [sflag:s3], $0x8000  }
0x10f: {  	[sflag:s3] =	ssyncset.done $0x0  }
0x110: {  	s29 =	rddreg [dreg:$0xb];
	[sflag:s3] =	ssyncadd.s32 $0xFFFF8000  }
0x111: {  	[hbm4b:s29+s2] =	stream.linear.scatter [tilespmem:s5], [sflag:$0x4], $0x8000, $0x38;
	[tilespmem:$0x18600] =	vst v63  }
0x112: {  	_ =	swait.ge [sflag:s3], $0x8000  }
0x113: {  	[sflag:s3] =	ssyncset.done $0x0  }
0x114: {  	s30 =	rddreg [dreg:$0xc];
	[sflag:s3] =	ssyncadd.s32 $0xFFFF8000  }
0x115: {  	[hbm4b:s30+s2] =	stream.linear.scatter [tilespmem:s4], [sflag:$0x4], $0x8000, $0x38;
	[tilespmem:$0x18600] =	vst v63  }
0x116: {  	_ =	swait.ge [sflag:s3], $0x8000  }
0x117: {  	[sflag:s3] =	ssyncset.done $0x0  }
0x118: {  	[sflag:s3] =	ssyncadd.s32 $0xFFFF8000  }
0x119: {  	_ =	sfence.sel $0x180000  }
0x11a: {  	[bflag:$0x0] =	sbarrier.arrive $0xFFFF  }
0x11b: {  	_ =	strace $0x90000047  }
0x11c: {  	s31 =	stileid.u32;
	[bflag:$0x2] =	sbarrier.arrive $0xFFFF  }
0x11d: {  	p0 =	sne.s32 s31, $0x0;
	s0 =	rddreg [dreg:$0x6]  }
0x11e: {  	s0 =	sadd.s32 @!p0 $0x100000, s0  }
0x11f: {  	[sflag:s0] =	ssyncadd.tile.s32 @!p0 $0x1;
	_ =	shalt  }
.LBB2_1:
0x120: {  	s16 =	simm.s32 $0x16600  }
.Ltmp3:
0x121: {  	s31 =	simm.s32 $0x580;
	s30 =	simm.s32 $0xE600;
	(pc) =	sbr.rel .LBB2_6-.Ltmp3, $4  }
0x122: {  	s29 =	simm.s32 $0x380;
	s28 =	simm.s32 $0x6600;
	s26 =	simm.s32 $0x180  }
0x123: {  	s25 =	simm.s32 $0x14600;
	s24 =	simm.s32 $0x500;
	s23 =	simm.s32 $0xC600  }
0x124: {  	s22 =	simm.s32 $0x300;
	s21 =	simm.s32 $0x4600;
	s20 =	simm.s32 $0x100  }
0x125: {  	s19 =	simm.s32 $0x12600;
	s18 =	simm.s32 $0x480;
	s17 =	simm.s32 $0xA600  }
.LBB2_3:
0x126: {  	s16 =	simm.s32 $0x16600  }
.Ltmp4:
0x127: {  	s31 =	simm.s32 $0x580;
	s30 =	simm.s32 $0xE600;
	(pc) =	sbr.rel .LBB2_6-.Ltmp4, $4  }
0x128: {  	s29 =	simm.s32 $0x380;
	s28 =	simm.s32 $0x6600;
	s26 =	simm.s32 $0x180  }
0x129: {  	s25 =	simm.s32 $0x14600;
	s24 =	simm.s32 $0x500;
	s23 =	simm.s32 $0xC600  }
0x12a: {  	s22 =	simm.s32 $0x300;
	s21 =	simm.s32 $0x4600;
	s20 =	simm.s32 $0x100  }
0x12b: {  	s19 =	simm.s32 $0x12600;
	s18 =	simm.s32 $0x480;
	s17 =	simm.s32 $0xA600  }
.Lfunc_end2:
_tile_overlayer_lowered:
.L_overlay_start_2:
0x12c: {  	(tag) =	ssettag $0x2  }
0x12d: {  	s0 =	rddreg [dreg:$0x0];
	s2 =	stileid.u32  }
0x12e: {  	s1 =	rddreg [dreg:$0x1];
	p0 =	sne.s32 s2, $0x0  }
0x12f: {  	s3 =	rddreg [dreg:$0x2];
	[bflag:$0x3] =	sbarrier.arrive $0xFFFF;
	s2 =	simm.s32 @!p0 $0x1C04  }
0x130: {  	[timem:s3], [sflag:s2] =	dma.local @!p0 [hbm:s0], s1  }
0x131: {  	s0 =	simm.s32 @!p0 $0x4  }
0x132: {  	_ =	swait.ge @!p0 [sflag:s0], s1  }
0x133: {  	s1 =	ssub.s32 @!p0 $0x0, s1;
	[sflag:s0] =	ssyncset.done @!p0 $0x0  }
0x134: {  	[sflag:s0] =	ssyncadd.s32 @!p0 s1  }
0x135: {  	[bflag:$0x3] =	sbarrier.arrive $0xFFFF  }
0x136: {  	_ =	shalt  }

</sc_bundles>
